<compile_context>
chip_gen: v7x
topology: tpu7x:2x2x1
jax: 0.10.2.dev20260603
libtpu: 0.0.44.dev20260713+nightly
codegen_flags: <defaults>
</compile_context>

<pallas_src>
import functools

import jax
import jax.numpy as jnp
from jax import lax
from jax.experimental import pallas as pl
from jax.experimental.pallas import tpu as pltpu
from jax.experimental.pallas import tpu_sc as plsc

_NBUF = 2
_CHUNK = 128


def _prep_tc(pos_table, seg_table, pos2d, seg2d):
    num_seg, dim = seg_table.shape
    max_len = pos_table.shape[0]
    n_r, n_c = pos2d.shape

    def body(pos_ref, seg_ref, p2_ref, s2_ref, fus_ref, fidx_ref):
        fus_ref[...] = seg_ref[...][:, None, :] + pos_ref[...][None, :, :]
        fidx_ref[...] = s2_ref[...] * max_len + p2_ref[...]

    fused, fidx = pl.pallas_call(
        body,
        out_shape=(
            jax.ShapeDtypeStruct((num_seg, max_len, dim), jnp.float32),
            jax.ShapeDtypeStruct((n_r, n_c), jnp.int32),
        ),
    )(pos_table, seg_table, pos2d, seg2d)
    return fused.reshape(num_seg * max_len, dim), fidx


def _sc_lookup(n_rows, dim, n_fused):
    info = plsc.get_sparse_core_info()
    nc, ns, lanes = info.num_cores, info.num_subcores, info.num_lanes
    nw = nc * ns
    CHUNK = _CHUNK
    NBUF = _NBUF
    rows_per_w = n_rows // (nw * CHUNK)
    HALF = rows_per_w // 2
    mesh = plsc.VectorSubcoreMesh(core_axis_name="c", subcore_axis_name="s")

    @functools.partial(
        pl.kernel,
        mesh=mesh,
        out_type=jax.ShapeDtypeStruct((n_rows, dim), jnp.float32),
        scratch_types=(
            [pltpu.VMEM((HALF, CHUNK), jnp.int32)] * 2
            + [pltpu.VMEM((CHUNK, dim), jnp.float32)] * (3 * NBUF)
            + [pltpu.SemaphoreType.DMA] * (2 * NBUF)
        ),
    )
    def k(tok_hbm, fidx_hbm, toktab_hbm, fustab_hbm, out_hbm, *refs):
        tokidx, fidxv = refs[0], refs[1]
        bufs = refs[2:2 + 3 * NBUF]
        tokbuf = bufs[0:NBUF]
        fusbuf = bufs[NBUF:2 * NBUF]
        outbuf = bufs[2 * NBUF:3 * NBUF]
        sems = refs[2 + 3 * NBUF:]
        gsem = sems[0:NBUF]
        wsem = sems[NBUF:2 * NBUF]

        cid = lax.axis_index("c")
        sid = lax.axis_index("s")
        wid = sid * nc + cid
        rowbase = wid * rows_per_w

        HC = CHUNK // 2

        def fire_gathers(b, cg):
            for p in range(2):
                sl = pl.ds(p * HC, HC)
                pltpu.async_copy(toktab_hbm.at[tokidx.at[cg, sl]],
                                 tokbuf[b].at[pl.ds(p * HC, HC)], gsem[b])
                pltpu.async_copy(fustab_hbm.at[fidxv.at[cg, sl]],
                                 fusbuf[b].at[pl.ds(p * HC, HC)], gsem[b])

        def wait_gathers(b):
            pltpu.make_async_copy(toktab_hbm.at[pl.ds(0, CHUNK)], tokbuf[b],
                                  gsem[b]).wait()
            pltpu.make_async_copy(toktab_hbm.at[pl.ds(0, CHUNK)], fusbuf[b],
                                  gsem[b]).wait()

        def wait_write(b):
            pltpu.make_async_copy(outbuf[b], out_hbm.at[pl.ds(0, CHUNK)],
                                  wsem[b]).wait()

        for h in range(2):
            hb = rowbase + h * HALF
            pltpu.sync_copy(tok_hbm.at[pl.ds(hb, HALF)], tokidx)
            pltpu.sync_copy(fidx_hbm.at[pl.ds(hb, HALF)], fidxv)
            for b in range(NBUF):
                fire_gathers(b, b)

            def body(kk, carry):
                for b in range(NBUF):
                    cg = NBUF * kk + b
                    gidx = h * HALF + cg
                    wait_gathers(b)

                    @pl.when(gidx >= NBUF)
                    def _():
                        wait_write(b)

                    def addrow(r, acc):
                        for j in range(dim // lanes):
                            sl = pl.ds(j * lanes, lanes)
                            outbuf[b][r, sl] = (tokbuf[b][r, sl]
                                                + fusbuf[b][r, sl])
                        return acc

                    lax.fori_loop(0, CHUNK, addrow, 0, unroll=False)

                    @pl.when(cg + NBUF < HALF)
                    def _():
                        fire_gathers(b, cg + NBUF)

                    pltpu.async_copy(
                        outbuf[b],
                        out_hbm.at[pl.ds((rowbase + gidx) * CHUNK, CHUNK)],
                        wsem[b])
                return carry

            lax.fori_loop(0, HALF // NBUF, body, 0, unroll=False)

        for b in range(NBUF):
            wait_write(b)

    return k


def kernel(tokens, segment_ids, pos_ids, token_table, pos_table, seg_table):
    b, l = tokens.shape
    vocab, dim = token_table.shape
    max_len = pos_table.shape[0]
    num_seg = seg_table.shape[0]
    n_rows = b * l
    n_c = _CHUNK
    n_r = n_rows // n_c

    tok2d = tokens.reshape(n_r, n_c).astype(jnp.int32)
    pos2d = pos_ids.reshape(n_r, n_c).astype(jnp.int32)
    seg2d = segment_ids.reshape(n_r, n_c).astype(jnp.int32)

    fused, fidx2d = _prep_tc(pos_table, seg_table, pos2d, seg2d)

    out = _sc_lookup(n_rows, dim, num_seg * max_len)(
        tok2d, fidx2d, token_table, fused)
    return out.reshape(b, l, dim)

# --- scband reference (transcript-rebuilt; emitter-appended) ---
"""Pipeline reference for scband-embedding-206158430383 (READ-ONLY COPY).

The authoritative reference and input builder live on the scoring server;
editing this copy changes nothing except your own understanding.
"""

import jax, jax.numpy as jnp
import numpy as np

VOCAB = 100000
MAX_LEN = 512
NUM_SEG = 2
DIM = 128
B = 1024
L = 512

def setup_inputs(seed: int = 0) -> dict:
    key = jax.random.key(seed)
    k1, k2, k3, k4, k5, k6 = jax.random.split(key, 6)
    tokens = jax.random.randint(k1, (B, L), 0, VOCAB, dtype=jnp.int64 if jax.config.jax_enable_x64 else jnp.int32)
    segment_ids = jax.random.randint(k2, (B, L), 0, NUM_SEG, dtype=tokens.dtype)
    pos_ids = jax.random.randint(k3, (B, L), 0, MAX_LEN, dtype=tokens.dtype)
    token_table = jax.random.normal(k4, (VOCAB, DIM), dtype=jnp.float32) * 0.02
    pos_table = jax.random.normal(k5, (MAX_LEN, DIM), dtype=jnp.float32) * 0.02
    seg_table = jax.random.normal(k6, (NUM_SEG, DIM), dtype=jnp.float32) * 0.02
    return {"tokens": tokens, "segment_ids": segment_ids, "pos_ids": pos_ids,
            "token_table": token_table, "pos_table": pos_table, "seg_table": seg_table}

def reference(tokens, segment_ids, pos_ids, token_table, pos_table, seg_table):
    # Embedding lookups (SparseCore-friendly gathers)
    segment_embedding = jnp.take(seg_table, segment_ids, axis=0)
    pos_embedding = jnp.take(pos_table, pos_ids, axis=0)
    token_embedding = jnp.take(token_table, tokens, axis=0)
    # use_one_dropout=False path; dropout is identity at inference.
    # embed_list = [dropout(seg), dropout(pos), dropout(tok)] -> Add
    sum_embed = segment_embedding + pos_embedding + token_embedding
    # use_embedding_layer_norm=False -> no layer norm
    return sum_embed

if __name__ == "__main__":
    import jax
    _d = setup_inputs()
    print(jax.jit(kernel)(*tuple(_d.values())))

</pallas_src>

<mosaic_0001>
#map = affine_map<(d0, d1) -> (0, 0)>
module attributes {stable_mosaic.version = 14 : i64} {
  func.func @k(%arg0: i32, %arg1: i32, %arg2: memref<4096x128xi32, #tpu.memory_space<hbm>>, %arg3: memref<4096x128xi32, #tpu.memory_space<hbm>>, %arg4: memref<100000x128xf32, #tpu.memory_space<hbm>>, %arg5: memref<1024x128xf32, #tpu.memory_space<hbm>>, %arg6: memref<524288x128xf32, #tpu.memory_space<hbm>>, %arg7: memref<64x128xi32, #tpu.memory_space<vmem>>, %arg8: memref<64x128xi32, #tpu.memory_space<vmem>>, %arg9: memref<128x128xf32, #tpu.memory_space<vmem>>, %arg10: memref<128x128xf32, #tpu.memory_space<vmem>>, %arg11: memref<128x128xf32, #tpu.memory_space<vmem>>, %arg12: memref<128x128xf32, #tpu.memory_space<vmem>>, %arg13: memref<128x128xf32, #tpu.memory_space<vmem>>, %arg14: memref<128x128xf32, #tpu.memory_space<vmem>>, %arg15: memref<!tpu.dma_semaphore, #tpu.memory_space<semaphore_mem>>, %arg16: memref<!tpu.dma_semaphore, #tpu.memory_space<semaphore_mem>>, %arg17: memref<!tpu.dma_semaphore, #tpu.memory_space<semaphore_mem>>, %arg18: memref<!tpu.dma_semaphore, #tpu.memory_space<semaphore_mem>>) attributes {dimension_semantics = [#tpu.dimension_semantics<core_parallel>, #tpu.dimension_semantics<subcore_parallel>], iteration_bounds = array<i64: 2, 16>, scalar_prefetch = 0 : i64, scratch_operands = 12 : i64, tpu.core_type = #tpu.core_type<sc_vector_subcore>, window_params = [{transform_indices = #map}, {transform_indices = #map}, {transform_indices = #map}, {transform_indices = #map}, {transform_indices = #map}]} {
    %mul3A = arith.constant 2 : i32
    %mul3A_0 = arith.muli %arg1, %mul3A : i32
    %add3A = arith.addi %mul3A_0, %arg0 : i32
    %mul3A_1 = arith.constant 128 : i32
    %mul3A_2 = arith.muli %add3A, %mul3A_1 : i32
    %add3A_3 = arith.constant 0 : i32
    %add3A_4 = arith.addi %mul3A_2, %add3A_3 : i32
    "tpu.region"() ({
      %run_scoped3A = tpu.sem_alloc : memref<!tpu.dma_semaphore, #tpu.memory_space<semaphore_mem>>
      %dma_start3A_188 = arith.constant 0 : i32
      %dma_start3A_189 = tpu.memref_slice %arg2[%add3A_4, %dma_start3A_188] : memref<4096x128xi32, #tpu.memory_space<hbm>> -> memref<64x128xi32, #tpu.memory_space<hbm>>
      %dma_start3A_190 = arith.constant 0 : i32
      %dma_start3A_191 = tpu.memref_slice %arg2[%add3A_4, %dma_start3A_190] : memref<4096x128xi32, #tpu.memory_space<hbm>> -> memref<64x128xi32, #tpu.memory_space<hbm>>
      tpu.enqueue_dma source(%dma_start3A_191 : memref<64x128xi32, #tpu.memory_space<hbm>>) target(%arg7 : memref<64x128xi32, #tpu.memory_space<vmem>>) target_semaphore(%run_scoped3A : memref<!tpu.dma_semaphore, #tpu.memory_space<semaphore_mem>>)
      %dma_wait3A_192 = arith.constant 0 : i32
      %dma_wait3A_193 = tpu.memref_slice %arg2[%add3A_4, %dma_wait3A_192] : memref<4096x128xi32, #tpu.memory_space<hbm>> -> memref<64x128xi32, #tpu.memory_space<hbm>>
      %dma_wait3A_194 = arith.constant 0 : i32
      %dma_wait3A_195 = tpu.memref_slice %arg2[%add3A_4, %dma_wait3A_194] : memref<4096x128xi32, #tpu.memory_space<hbm>> -> memref<64x128xi32, #tpu.memory_space<hbm>>
      tpu.wait_dma2 semaphore(%run_scoped3A : memref<!tpu.dma_semaphore, #tpu.memory_space<semaphore_mem>>) src(%dma_wait3A_195 : memref<64x128xi32, #tpu.memory_space<hbm>>) dst(%arg7 : memref<64x128xi32, #tpu.memory_space<vmem>>)
      tpu.yield
    }) : () -> ()
    "tpu.region"() ({
      %run_scoped3A = tpu.sem_alloc : memref<!tpu.dma_semaphore, #tpu.memory_space<semaphore_mem>>
      %dma_start3A_188 = arith.constant 0 : i32
      %dma_start3A_189 = tpu.memref_slice %arg3[%add3A_4, %dma_start3A_188] : memref<4096x128xi32, #tpu.memory_space<hbm>> -> memref<64x128xi32, #tpu.memory_space<hbm>>
      %dma_start3A_190 = arith.constant 0 : i32
      %dma_start3A_191 = tpu.memref_slice %arg3[%add3A_4, %dma_start3A_190] : memref<4096x128xi32, #tpu.memory_space<hbm>> -> memref<64x128xi32, #tpu.memory_space<hbm>>
      tpu.enqueue_dma source(%dma_start3A_191 : memref<64x128xi32, #tpu.memory_space<hbm>>) target(%arg8 : memref<64x128xi32, #tpu.memory_space<vmem>>) target_semaphore(%run_scoped3A : memref<!tpu.dma_semaphore, #tpu.memory_space<semaphore_mem>>)
      %dma_wait3A_192 = arith.constant 0 : i32
      %dma_wait3A_193 = tpu.memref_slice %arg3[%add3A_4, %dma_wait3A_192] : memref<4096x128xi32, #tpu.memory_space<hbm>> -> memref<64x128xi32, #tpu.memory_space<hbm>>
      %dma_wait3A_194 = arith.constant 0 : i32
      %dma_wait3A_195 = tpu.memref_slice %arg3[%add3A_4, %dma_wait3A_194] : memref<4096x128xi32, #tpu.memory_space<hbm>> -> memref<64x128xi32, #tpu.memory_space<hbm>>
      tpu.wait_dma2 semaphore(%run_scoped3A : memref<!tpu.dma_semaphore, #tpu.memory_space<semaphore_mem>>) src(%dma_wait3A_195 : memref<64x128xi32, #tpu.memory_space<hbm>>) dst(%arg8 : memref<64x128xi32, #tpu.memory_space<vmem>>)
      tpu.yield
    }) : () -> ()
    %dma_start3A = arith.constant 0 : i32
    %dma_start3A_5 = arith.constant 0 : i32
    %dma_start3A_6 = arith.constant 0 : i32
    %dma_start3A_7 = tpu.memref_slice %arg9[%dma_start3A_5, %dma_start3A_6] : memref<128x128xf32, #tpu.memory_space<vmem>> -> memref<64x128xf32, #tpu.memory_space<vmem>>
    %dma_start3A_8 = arith.constant 0 : i32
    %dma_start3A_9 = tpu.memref_slice %arg7[%dma_start3A, %dma_start3A_8] : memref<64x128xi32, #tpu.memory_space<vmem>> -> memref<1x64xi32, #tpu.memory_space<vmem>>
    %dma_start3A_10 = tpu.memref_squeeze %dma_start3A_9 : memref<1x64xi32, #tpu.memory_space<vmem>> -> memref<64xi32, #tpu.memory_space<vmem>>
    %dma_start3A_11 = arith.constant 0 : i32
    %dma_start3A_12 = arith.constant 0 : i32
    %dma_start3A_13 = tpu.memref_slice %arg4[%dma_start3A_11, %dma_start3A_12] : memref<100000x128xf32, #tpu.memory_space<hbm>> -> memref<100000x128xf32, #tpu.memory_space<hbm>>
    tpu.enqueue_indirect_dma source(%dma_start3A_13 : memref<100000x128xf32, #tpu.memory_space<hbm>>) target(%dma_start3A_7 : memref<64x128xf32, #tpu.memory_space<vmem>>) offsets(%dma_start3A_10 : memref<64xi32, #tpu.memory_space<vmem>>) semaphore(%arg15 : memref<!tpu.dma_semaphore, #tpu.memory_space<semaphore_mem>>)
    %dma_start3A_14 = arith.constant 0 : i32
    %dma_start3A_15 = arith.constant 0 : i32
    %dma_start3A_16 = arith.constant 0 : i32
    %dma_start3A_17 = tpu.memref_slice %arg11[%dma_start3A_15, %dma_start3A_16] : memref<128x128xf32, #tpu.memory_space<vmem>> -> memref<64x128xf32, #tpu.memory_space<vmem>>
    %dma_start3A_18 = arith.constant 0 : i32
    %dma_start3A_19 = tpu.memref_slice %arg8[%dma_start3A_14, %dma_start3A_18] : memref<64x128xi32, #tpu.memory_space<vmem>> -> memref<1x64xi32, #tpu.memory_space<vmem>>
    %dma_start3A_20 = tpu.memref_squeeze %dma_start3A_19 : memref<1x64xi32, #tpu.memory_space<vmem>> -> memref<64xi32, #tpu.memory_space<vmem>>
    %dma_start3A_21 = arith.constant 0 : i32
    %dma_start3A_22 = arith.constant 0 : i32
    %dma_start3A_23 = tpu.memref_slice %arg5[%dma_start3A_21, %dma_start3A_22] : memref<1024x128xf32, #tpu.memory_space<hbm>> -> memref<1024x128xf32, #tpu.memory_space<hbm>>
    tpu.enqueue_indirect_dma source(%dma_start3A_23 : memref<1024x128xf32, #tpu.memory_space<hbm>>) target(%dma_start3A_17 : memref<64x128xf32, #tpu.memory_space<vmem>>) offsets(%dma_start3A_20 : memref<64xi32, #tpu.memory_space<vmem>>) semaphore(%arg15 : memref<!tpu.dma_semaphore, #tpu.memory_space<semaphore_mem>>)
    %dma_start3A_24 = arith.constant 0 : i32
    %dma_start3A_25 = arith.constant 64 : i32
    %dma_start3A_26 = arith.constant 0 : i32
    %dma_start3A_27 = tpu.memref_slice %arg9[%dma_start3A_25, %dma_start3A_26] : memref<128x128xf32, #tpu.memory_space<vmem>> -> memref<64x128xf32, #tpu.memory_space<vmem>>
    %dma_start3A_28 = arith.constant 64 : i32
    %dma_start3A_29 = tpu.memref_slice %arg7[%dma_start3A_24, %dma_start3A_28] : memref<64x128xi32, #tpu.memory_space<vmem>> -> memref<1x64xi32, #tpu.memory_space<vmem>>
    %dma_start3A_30 = tpu.memref_squeeze %dma_start3A_29 : memref<1x64xi32, #tpu.memory_space<vmem>> -> memref<64xi32, #tpu.memory_space<vmem>>
    %dma_start3A_31 = arith.constant 0 : i32
    %dma_start3A_32 = arith.constant 0 : i32
    %dma_start3A_33 = tpu.memref_slice %arg4[%dma_start3A_31, %dma_start3A_32] : memref<100000x128xf32, #tpu.memory_space<hbm>> -> memref<100000x128xf32, #tpu.memory_space<hbm>>
    tpu.enqueue_indirect_dma source(%dma_start3A_33 : memref<100000x128xf32, #tpu.memory_space<hbm>>) target(%dma_start3A_27 : memref<64x128xf32, #tpu.memory_space<vmem>>) offsets(%dma_start3A_30 : memref<64xi32, #tpu.memory_space<vmem>>) semaphore(%arg15 : memref<!tpu.dma_semaphore, #tpu.memory_space<semaphore_mem>>)
    %dma_start3A_34 = arith.constant 0 : i32
    %dma_start3A_35 = arith.constant 64 : i32
    %dma_start3A_36 = arith.constant 0 : i32
    %dma_start3A_37 = tpu.memref_slice %arg11[%dma_start3A_35, %dma_start3A_36] : memref<128x128xf32, #tpu.memory_space<vmem>> -> memref<64x128xf32, #tpu.memory_space<vmem>>
    %dma_start3A_38 = arith.constant 64 : i32
    %dma_start3A_39 = tpu.memref_slice %arg8[%dma_start3A_34, %dma_start3A_38] : memref<64x128xi32, #tpu.memory_space<vmem>> -> memref<1x64xi32, #tpu.memory_space<vmem>>
    %dma_start3A_40 = tpu.memref_squeeze %dma_start3A_39 : memref<1x64xi32, #tpu.memory_space<vmem>> -> memref<64xi32, #tpu.memory_space<vmem>>
    %dma_start3A_41 = arith.constant 0 : i32
    %dma_start3A_42 = arith.constant 0 : i32
    %dma_start3A_43 = tpu.memref_slice %arg5[%dma_start3A_41, %dma_start3A_42] : memref<1024x128xf32, #tpu.memory_space<hbm>> -> memref<1024x128xf32, #tpu.memory_space<hbm>>
    tpu.enqueue_indirect_dma source(%dma_start3A_43 : memref<1024x128xf32, #tpu.memory_space<hbm>>) target(%dma_start3A_37 : memref<64x128xf32, #tpu.memory_space<vmem>>) offsets(%dma_start3A_40 : memref<64xi32, #tpu.memory_space<vmem>>) semaphore(%arg15 : memref<!tpu.dma_semaphore, #tpu.memory_space<semaphore_mem>>)
    %dma_start3A_44 = arith.constant 1 : i32
    %dma_start3A_45 = arith.constant 0 : i32
    %dma_start3A_46 = arith.constant 0 : i32
    %dma_start3A_47 = tpu.memref_slice %arg10[%dma_start3A_45, %dma_start3A_46] : memref<128x128xf32, #tpu.memory_space<vmem>> -> memref<64x128xf32, #tpu.memory_space<vmem>>
    %dma_start3A_48 = arith.constant 0 : i32
    %dma_start3A_49 = tpu.memref_slice %arg7[%dma_start3A_44, %dma_start3A_48] : memref<64x128xi32, #tpu.memory_space<vmem>> -> memref<1x64xi32, #tpu.memory_space<vmem>>
    %dma_start3A_50 = tpu.memref_squeeze %dma_start3A_49 : memref<1x64xi32, #tpu.memory_space<vmem>> -> memref<64xi32, #tpu.memory_space<vmem>>
    %dma_start3A_51 = arith.constant 0 : i32
    %dma_start3A_52 = arith.constant 0 : i32
    %dma_start3A_53 = tpu.memref_slice %arg4[%dma_start3A_51, %dma_start3A_52] : memref<100000x128xf32, #tpu.memory_space<hbm>> -> memref<100000x128xf32, #tpu.memory_space<hbm>>
    tpu.enqueue_indirect_dma source(%dma_start3A_53 : memref<100000x128xf32, #tpu.memory_space<hbm>>) target(%dma_start3A_47 : memref<64x128xf32, #tpu.memory_space<vmem>>) offsets(%dma_start3A_50 : memref<64xi32, #tpu.memory_space<vmem>>) semaphore(%arg16 : memref<!tpu.dma_semaphore, #tpu.memory_space<semaphore_mem>>)
    %dma_start3A_54 = arith.constant 1 : i32
    %dma_start3A_55 = arith.constant 0 : i32
    %dma_start3A_56 = arith.constant 0 : i32
    %dma_start3A_57 = tpu.memref_slice %arg12[%dma_start3A_55, %dma_start3A_56] : memref<128x128xf32, #tpu.memory_space<vmem>> -> memref<64x128xf32, #tpu.memory_space<vmem>>
    %dma_start3A_58 = arith.constant 0 : i32
    %dma_start3A_59 = tpu.memref_slice %arg8[%dma_start3A_54, %dma_start3A_58] : memref<64x128xi32, #tpu.memory_space<vmem>> -> memref<1x64xi32, #tpu.memory_space<vmem>>
    %dma_start3A_60 = tpu.memref_squeeze %dma_start3A_59 : memref<1x64xi32, #tpu.memory_space<vmem>> -> memref<64xi32, #tpu.memory_space<vmem>>
    %dma_start3A_61 = arith.constant 0 : i32
    %dma_start3A_62 = arith.constant 0 : i32
    %dma_start3A_63 = tpu.memref_slice %arg5[%dma_start3A_61, %dma_start3A_62] : memref<1024x128xf32, #tpu.memory_space<hbm>> -> memref<1024x128xf32, #tpu.memory_space<hbm>>
    tpu.enqueue_indirect_dma source(%dma_start3A_63 : memref<1024x128xf32, #tpu.memory_space<hbm>>) target(%dma_start3A_57 : memref<64x128xf32, #tpu.memory_space<vmem>>) offsets(%dma_start3A_60 : memref<64xi32, #tpu.memory_space<vmem>>) semaphore(%arg16 : memref<!tpu.dma_semaphore, #tpu.memory_space<semaphore_mem>>)
    %dma_start3A_64 = arith.constant 1 : i32
    %dma_start3A_65 = arith.constant 64 : i32
    %dma_start3A_66 = arith.constant 0 : i32
    %dma_start3A_67 = tpu.memref_slice %arg10[%dma_start3A_65, %dma_start3A_66] : memref<128x128xf32, #tpu.memory_space<vmem>> -> memref<64x128xf32, #tpu.memory_space<vmem>>
    %dma_start3A_68 = arith.constant 64 : i32
    %dma_start3A_69 = tpu.memref_slice %arg7[%dma_start3A_64, %dma_start3A_68] : memref<64x128xi32, #tpu.memory_space<vmem>> -> memref<1x64xi32, #tpu.memory_space<vmem>>
    %dma_start3A_70 = tpu.memref_squeeze %dma_start3A_69 : memref<1x64xi32, #tpu.memory_space<vmem>> -> memref<64xi32, #tpu.memory_space<vmem>>
    %dma_start3A_71 = arith.constant 0 : i32
    %dma_start3A_72 = arith.constant 0 : i32
    %dma_start3A_73 = tpu.memref_slice %arg4[%dma_start3A_71, %dma_start3A_72] : memref<100000x128xf32, #tpu.memory_space<hbm>> -> memref<100000x128xf32, #tpu.memory_space<hbm>>
    tpu.enqueue_indirect_dma source(%dma_start3A_73 : memref<100000x128xf32, #tpu.memory_space<hbm>>) target(%dma_start3A_67 : memref<64x128xf32, #tpu.memory_space<vmem>>) offsets(%dma_start3A_70 : memref<64xi32, #tpu.memory_space<vmem>>) semaphore(%arg16 : memref<!tpu.dma_semaphore, #tpu.memory_space<semaphore_mem>>)
    %dma_start3A_74 = arith.constant 1 : i32
    %dma_start3A_75 = arith.constant 64 : i32
    %dma_start3A_76 = arith.constant 0 : i32
    %dma_start3A_77 = tpu.memref_slice %arg12[%dma_start3A_75, %dma_start3A_76] : memref<128x128xf32, #tpu.memory_space<vmem>> -> memref<64x128xf32, #tpu.memory_space<vmem>>
    %dma_start3A_78 = arith.constant 64 : i32
    %dma_start3A_79 = tpu.memref_slice %arg8[%dma_start3A_74, %dma_start3A_78] : memref<64x128xi32, #tpu.memory_space<vmem>> -> memref<1x64xi32, #tpu.memory_space<vmem>>
    %dma_start3A_80 = tpu.memref_squeeze %dma_start3A_79 : memref<1x64xi32, #tpu.memory_space<vmem>> -> memref<64xi32, #tpu.memory_space<vmem>>
    %dma_start3A_81 = arith.constant 0 : i32
    %dma_start3A_82 = arith.constant 0 : i32
    %dma_start3A_83 = tpu.memref_slice %arg5[%dma_start3A_81, %dma_start3A_82] : memref<1024x128xf32, #tpu.memory_space<hbm>> -> memref<1024x128xf32, #tpu.memory_space<hbm>>
    tpu.enqueue_indirect_dma source(%dma_start3A_83 : memref<1024x128xf32, #tpu.memory_space<hbm>>) target(%dma_start3A_77 : memref<64x128xf32, #tpu.memory_space<vmem>>) offsets(%dma_start3A_80 : memref<64xi32, #tpu.memory_space<vmem>>) semaphore(%arg16 : memref<!tpu.dma_semaphore, #tpu.memory_space<semaphore_mem>>)
    %scan3A = arith.constant 0 : i32
    %scan3A_84 = arith.constant 0 : i32
    %scan3A_85 = arith.constant 32 : i32
    %scan3A_86 = arith.addi %scan3A_84, %scan3A_85 : i32
    %scan3A_87 = arith.constant 1 : i32
    scf.for %scan3A_188 = %scan3A_84 to %scan3A_86 step %scan3A_87  : i32 {
      %mul3A_189 = arith.constant 2 : i32
      %mul3A_190 = arith.muli %mul3A_189, %scan3A_188 : i32
      %add3A_191 = arith.constant 0 : i32
      %add3A_192 = arith.addi %mul3A_190, %add3A_191 : i32
      %add3A_193 = arith.constant 0 : i32
      %add3A_194 = arith.addi %add3A_193, %add3A_192 : i32
      %dma_wait3A_195 = arith.constant 0 : i32
      %dma_wait3A_196 = arith.constant 0 : i32
      %dma_wait3A_197 = tpu.memref_slice %arg4[%dma_wait3A_195, %dma_wait3A_196] : memref<100000x128xf32, #tpu.memory_space<hbm>> -> memref<128x128xf32, #tpu.memory_space<hbm>>
      %dma_wait3A_198 = arith.constant 0 : i32
      %dma_wait3A_199 = arith.constant 0 : i32
      %dma_wait3A_200 = tpu.memref_slice %arg4[%dma_wait3A_198, %dma_wait3A_199] : memref<100000x128xf32, #tpu.memory_space<hbm>> -> memref<128x128xf32, #tpu.memory_space<hbm>>
      tpu.wait_dma2 semaphore(%arg15 : memref<!tpu.dma_semaphore, #tpu.memory_space<semaphore_mem>>) src(%dma_wait3A_200 : memref<128x128xf32, #tpu.memory_space<hbm>>) dst(%arg9 : memref<128x128xf32, #tpu.memory_space<vmem>>)
      %dma_wait3A_201 = arith.constant 0 : i32
      %dma_wait3A_202 = arith.constant 0 : i32
      %dma_wait3A_203 = tpu.memref_slice %arg4[%dma_wait3A_201, %dma_wait3A_202] : memref<100000x128xf32, #tpu.memory_space<hbm>> -> memref<128x128xf32, #tpu.memory_space<hbm>>
      %dma_wait3A_204 = arith.constant 0 : i32
      %dma_wait3A_205 = arith.constant 0 : i32
      %dma_wait3A_206 = tpu.memref_slice %arg4[%dma_wait3A_204, %dma_wait3A_205] : memref<100000x128xf32, #tpu.memory_space<hbm>> -> memref<128x128xf32, #tpu.memory_space<hbm>>
      tpu.wait_dma2 semaphore(%arg15 : memref<!tpu.dma_semaphore, #tpu.memory_space<semaphore_mem>>) src(%dma_wait3A_206 : memref<128x128xf32, #tpu.memory_space<hbm>>) dst(%arg11 : memref<128x128xf32, #tpu.memory_space<vmem>>)
      %ge3A = arith.constant 2 : i32
      %ge3A_207 = arith.cmpi sge, %add3A_194, %ge3A : i32
      %convert_element_type3A = arith.extui %ge3A_207 : i1 to i32
      %cond3A = arith.constant 0 : i32
      %cond3A_208 = arith.cmpi ne, %convert_element_type3A, %cond3A : i32
      scf.if %cond3A_208 {
        %dma_wait3A_271 = arith.constant 0 : i32
        %dma_wait3A_272 = arith.constant 0 : i32
        %dma_wait3A_273 = tpu.memref_slice %arg6[%dma_wait3A_271, %dma_wait3A_272] : memref<524288x128xf32, #tpu.memory_space<hbm>> -> memref<128x128xf32, #tpu.memory_space<hbm>>
        %dma_wait3A_274 = arith.constant 0 : i32
        %dma_wait3A_275 = arith.constant 0 : i32
        %dma_wait3A_276 = tpu.memref_slice %arg6[%dma_wait3A_274, %dma_wait3A_275] : memref<524288x128xf32, #tpu.memory_space<hbm>> -> memref<128x128xf32, #tpu.memory_space<hbm>>
        tpu.wait_dma2 semaphore(%arg17 : memref<!tpu.dma_semaphore, #tpu.memory_space<semaphore_mem>>) src(%arg13 : memref<128x128xf32, #tpu.memory_space<vmem>>) dst(%dma_wait3A_276 : memref<128x128xf32, #tpu.memory_space<hbm>>)
      } else {
      }
      %scan3A_209 = arith.constant 0 : i32
      %scan3A_210 = arith.constant 0 : i32
      %scan3A_211 = arith.constant 128 : i32
      %scan3A_212 = arith.addi %scan3A_210, %scan3A_211 : i32
      %scan3A_213 = arith.constant 1 : i32
      scf.for %scan3A_271 = %scan3A_210 to %scan3A_212 step %scan3A_213  : i32 {
        %get3A = arith.index_cast %scan3A_271 : i32 to index
        %get3A_272 = arith.constant 0 : index
        %get3A_273 = tpu.vector_load %arg9[%get3A, %get3A_272] {strides = array<i32>} : memref<128x128xf32, #tpu.memory_space<vmem>>, vector<1x16xf32>,
        %get3A_274 = vector.shape_cast %get3A_273 : vector<1x16xf32> to vector<16xf32>
        %get3A_275 = arith.index_cast %scan3A_271 : i32 to index
        %get3A_276 = arith.constant 0 : index
        %get3A_277 = tpu.vector_load %arg11[%get3A_275, %get3A_276] {strides = array<i32>} : memref<128x128xf32, #tpu.memory_space<vmem>>, vector<1x16xf32>,
        %get3A_278 = vector.shape_cast %get3A_277 : vector<1x16xf32> to vector<16xf32>
        %add3A_279 = arith.addf %get3A_274, %get3A_278 : vector<16xf32>
        %swap3A = arith.index_cast %scan3A_271 : i32 to index
        %swap3A_280 = arith.constant 0 : index
        %swap3A_281 = tpu.vector_load %arg13[%swap3A, %swap3A_280] {strides = array<i32>} : memref<128x128xf32, #tpu.memory_space<vmem>>, vector<1x16xf32>,
        %swap3A_282 = vector.shape_cast %swap3A_281 : vector<1x16xf32> to vector<16xf32>
        %swap3A_283 = vector.shape_cast %add3A_279 : vector<16xf32> to vector<1x16xf32>
        tpu.vector_store %arg13[%swap3A, %swap3A_280], %swap3A_283 {strides = array<i32>} : memref<128x128xf32, #tpu.memory_space<vmem>>, vector<1x16xf32>,
        %get3A_284 = arith.index_cast %scan3A_271 : i32 to index
        %get3A_285 = arith.constant 16 : index
        %get3A_286 = tpu.vector_load %arg9[%get3A_284, %get3A_285] {strides = array<i32>} : memref<128x128xf32, #tpu.memory_space<vmem>>, vector<1x16xf32>,
        %get3A_287 = vector.shape_cast %get3A_286 : vector<1x16xf32> to vector<16xf32>
        %get3A_288 = arith.index_cast %scan3A_271 : i32 to index
        %get3A_289 = arith.constant 16 : index
        %get3A_290 = tpu.vector_load %arg11[%get3A_288, %get3A_289] {strides = array<i32>} : memref<128x128xf32, #tpu.memory_space<vmem>>, vector<1x16xf32>,
        %get3A_291 = vector.shape_cast %get3A_290 : vector<1x16xf32> to vector<16xf32>
        %add3A_292 = arith.addf %get3A_287, %get3A_291 : vector<16xf32>
        %swap3A_293 = arith.index_cast %scan3A_271 : i32 to index
        %swap3A_294 = arith.constant 16 : index
        %swap3A_295 = tpu.vector_load %arg13[%swap3A_293, %swap3A_294] {strides = array<i32>} : memref<128x128xf32, #tpu.memory_space<vmem>>, vector<1x16xf32>,
        %swap3A_296 = vector.shape_cast %swap3A_295 : vector<1x16xf32> to vector<16xf32>
        %swap3A_297 = vector.shape_cast %add3A_292 : vector<16xf32> to vector<1x16xf32>
        tpu.vector_store %arg13[%swap3A_293, %swap3A_294], %swap3A_297 {strides = array<i32>} : memref<128x128xf32, #tpu.memory_space<vmem>>, vector<1x16xf32>,
        %get3A_298 = arith.index_cast %scan3A_271 : i32 to index
        %get3A_299 = arith.constant 32 : index
        %get3A_300 = tpu.vector_load %arg9[%get3A_298, %get3A_299] {strides = array<i32>} : memref<128x128xf32, #tpu.memory_space<vmem>>, vector<1x16xf32>,
        %get3A_301 = vector.shape_cast %get3A_300 : vector<1x16xf32> to vector<16xf32>
        %get3A_302 = arith.index_cast %scan3A_271 : i32 to index
        %get3A_303 = arith.constant 32 : index
        %get3A_304 = tpu.vector_load %arg11[%get3A_302, %get3A_303] {strides = array<i32>} : memref<128x128xf32, #tpu.memory_space<vmem>>, vector<1x16xf32>,
        %get3A_305 = vector.shape_cast %get3A_304 : vector<1x16xf32> to vector<16xf32>
        %add3A_306 = arith.addf %get3A_301, %get3A_305 : vector<16xf32>
        %swap3A_307 = arith.index_cast %scan3A_271 : i32 to index
        %swap3A_308 = arith.constant 32 : index
        %swap3A_309 = tpu.vector_load %arg13[%swap3A_307, %swap3A_308] {strides = array<i32>} : memref<128x128xf32, #tpu.memory_space<vmem>>, vector<1x16xf32>,
        %swap3A_310 = vector.shape_cast %swap3A_309 : vector<1x16xf32> to vector<16xf32>
        %swap3A_311 = vector.shape_cast %add3A_306 : vector<16xf32> to vector<1x16xf32>
        tpu.vector_store %arg13[%swap3A_307, %swap3A_308], %swap3A_311 {strides = array<i32>} : memref<128x128xf32, #tpu.memory_space<vmem>>, vector<1x16xf32>,
        %get3A_312 = arith.index_cast %scan3A_271 : i32 to index
        %get3A_313 = arith.constant 48 : index
        %get3A_314 = tpu.vector_load %arg9[%get3A_312, %get3A_313] {strides = array<i32>} : memref<128x128xf32, #tpu.memory_space<vmem>>, vector<1x16xf32>,
        %get3A_315 = vector.shape_cast %get3A_314 : vector<1x16xf32> to vector<16xf32>
        %get3A_316 = arith.index_cast %scan3A_271 : i32 to index
        %get3A_317 = arith.constant 48 : index
        %get3A_318 = tpu.vector_load %arg11[%get3A_316, %get3A_317] {strides = array<i32>} : memref<128x128xf32, #tpu.memory_space<vmem>>, vector<1x16xf32>,
        %get3A_319 = vector.shape_cast %get3A_318 : vector<1x16xf32> to vector<16xf32>
        %add3A_320 = arith.addf %get3A_315, %get3A_319 : vector<16xf32>
        %swap3A_321 = arith.index_cast %scan3A_271 : i32 to index
        %swap3A_322 = arith.constant 48 : index
        %swap3A_323 = tpu.vector_load %arg13[%swap3A_321, %swap3A_322] {strides = array<i32>} : memref<128x128xf32, #tpu.memory_space<vmem>>, vector<1x16xf32>,
        %swap3A_324 = vector.shape_cast %swap3A_323 : vector<1x16xf32> to vector<16xf32>
        %swap3A_325 = vector.shape_cast %add3A_320 : vector<16xf32> to vector<1x16xf32>
        tpu.vector_store %arg13[%swap3A_321, %swap3A_322], %swap3A_325 {strides = array<i32>} : memref<128x128xf32, #tpu.memory_space<vmem>>, vector<1x16xf32>,
        %get3A_326 = arith.index_cast %scan3A_271 : i32 to index
        %get3A_327 = arith.constant 64 : index
        %get3A_328 = tpu.vector_load %arg9[%get3A_326, %get3A_327] {strides = array<i32>} : memref<128x128xf32, #tpu.memory_space<vmem>>, vector<1x16xf32>,
        %get3A_329 = vector.shape_cast %get3A_328 : vector<1x16xf32> to vector<16xf32>
        %get3A_330 = arith.index_cast %scan3A_271 : i32 to index
        %get3A_331 = arith.constant 64 : index
        %get3A_332 = tpu.vector_load %arg11[%get3A_330, %get3A_331] {strides = array<i32>} : memref<128x128xf32, #tpu.memory_space<vmem>>, vector<1x16xf32>,
        %get3A_333 = vector.shape_cast %get3A_332 : vector<1x16xf32> to vector<16xf32>
        %add3A_334 = arith.addf %get3A_329, %get3A_333 : vector<16xf32>
        %swap3A_335 = arith.index_cast %scan3A_271 : i32 to index
        %swap3A_336 = arith.constant 64 : index
        %swap3A_337 = tpu.vector_load %arg13[%swap3A_335, %swap3A_336] {strides = array<i32>} : memref<128x128xf32, #tpu.memory_space<vmem>>, vector<1x16xf32>,
        %swap3A_338 = vector.shape_cast %swap3A_337 : vector<1x16xf32> to vector<16xf32>
        %swap3A_339 = vector.shape_cast %add3A_334 : vector<16xf32> to vector<1x16xf32>
        tpu.vector_store %arg13[%swap3A_335, %swap3A_336], %swap3A_339 {strides = array<i32>} : memref<128x128xf32, #tpu.memory_space<vmem>>, vector<1x16xf32>,
        %get3A_340 = arith.index_cast %scan3A_271 : i32 to index
        %get3A_341 = arith.constant 80 : index
        %get3A_342 = tpu.vector_load %arg9[%get3A_340, %get3A_341] {strides = array<i32>} : memref<128x128xf32, #tpu.memory_space<vmem>>, vector<1x16xf32>,
        %get3A_343 = vector.shape_cast %get3A_342 : vector<1x16xf32> to vector<16xf32>
        %get3A_344 = arith.index_cast %scan3A_271 : i32 to index
        %get3A_345 = arith.constant 80 : index
        %get3A_346 = tpu.vector_load %arg11[%get3A_344, %get3A_345] {strides = array<i32>} : memref<128x128xf32, #tpu.memory_space<vmem>>, vector<1x16xf32>,
        %get3A_347 = vector.shape_cast %get3A_346 : vector<1x16xf32> to vector<16xf32>
        %add3A_348 = arith.addf %get3A_343, %get3A_347 : vector<16xf32>
        %swap3A_349 = arith.index_cast %scan3A_271 : i32 to index
        %swap3A_350 = arith.constant 80 : index
        %swap3A_351 = tpu.vector_load %arg13[%swap3A_349, %swap3A_350] {strides = array<i32>} : memref<128x128xf32, #tpu.memory_space<vmem>>, vector<1x16xf32>,
        %swap3A_352 = vector.shape_cast %swap3A_351 : vector<1x16xf32> to vector<16xf32>
        %swap3A_353 = vector.shape_cast %add3A_348 : vector<16xf32> to vector<1x16xf32>
        tpu.vector_store %arg13[%swap3A_349, %swap3A_350], %swap3A_353 {strides = array<i32>} : memref<128x128xf32, #tpu.memory_space<vmem>>, vector<1x16xf32>,
        %get3A_354 = arith.index_cast %scan3A_271 : i32 to index
        %get3A_355 = arith.constant 96 : index
        %get3A_356 = tpu.vector_load %arg9[%get3A_354, %get3A_355] {strides = array<i32>} : memref<128x128xf32, #tpu.memory_space<vmem>>, vector<1x16xf32>,
        %get3A_357 = vector.shape_cast %get3A_356 : vector<1x16xf32> to vector<16xf32>
        %get3A_358 = arith.index_cast %scan3A_271 : i32 to index
        %get3A_359 = arith.constant 96 : index
        %get3A_360 = tpu.vector_load %arg11[%get3A_358, %get3A_359] {strides = array<i32>} : memref<128x128xf32, #tpu.memory_space<vmem>>, vector<1x16xf32>,
        %get3A_361 = vector.shape_cast %get3A_360 : vector<1x16xf32> to vector<16xf32>
        %add3A_362 = arith.addf %get3A_357, %get3A_361 : vector<16xf32>
        %swap3A_363 = arith.index_cast %scan3A_271 : i32 to index
        %swap3A_364 = arith.constant 96 : index
        %swap3A_365 = tpu.vector_load %arg13[%swap3A_363, %swap3A_364] {strides = array<i32>} : memref<128x128xf32, #tpu.memory_space<vmem>>, vector<1x16xf32>,
        %swap3A_366 = vector.shape_cast %swap3A_365 : vector<1x16xf32> to vector<16xf32>
        %swap3A_367 = vector.shape_cast %add3A_362 : vector<16xf32> to vector<1x16xf32>
        tpu.vector_store %arg13[%swap3A_363, %swap3A_364], %swap3A_367 {strides = array<i32>} : memref<128x128xf32, #tpu.memory_space<vmem>>, vector<1x16xf32>,
        %get3A_368 = arith.index_cast %scan3A_271 : i32 to index
        %get3A_369 = arith.constant 112 : index
        %get3A_370 = tpu.vector_load %arg9[%get3A_368, %get3A_369] {strides = array<i32>} : memref<128x128xf32, #tpu.memory_space<vmem>>, vector<1x16xf32>,
        %get3A_371 = vector.shape_cast %get3A_370 : vector<1x16xf32> to vector<16xf32>
        %get3A_372 = arith.index_cast %scan3A_271 : i32 to index
        %get3A_373 = arith.constant 112 : index
        %get3A_374 = tpu.vector_load %arg11[%get3A_372, %get3A_373] {strides = array<i32>} : memref<128x128xf32, #tpu.memory_space<vmem>>, vector<1x16xf32>,
        %get3A_375 = vector.shape_cast %get3A_374 : vector<1x16xf32> to vector<16xf32>
        %add3A_376 = arith.addf %get3A_371, %get3A_375 : vector<16xf32>
        %swap3A_377 = arith.index_cast %scan3A_271 : i32 to index
        %swap3A_378 = arith.constant 112 : index
        %swap3A_379 = tpu.vector_load %arg13[%swap3A_377, %swap3A_378] {strides = array<i32>} : memref<128x128xf32, #tpu.memory_space<vmem>>, vector<1x16xf32>,
        %swap3A_380 = vector.shape_cast %swap3A_379 : vector<1x16xf32> to vector<16xf32>
        %swap3A_381 = vector.shape_cast %add3A_376 : vector<16xf32> to vector<1x16xf32>
        tpu.vector_store %arg13[%swap3A_377, %swap3A_378], %swap3A_381 {strides = array<i32>} : memref<128x128xf32, #tpu.memory_space<vmem>>, vector<1x16xf32>,
      }
      %scan3A_214 = arith.constant 128 : i32
      %add3A_215 = arith.constant 2 : i32
      %add3A_216 = arith.addi %add3A_192, %add3A_215 : i32
      %lt3A = arith.constant 64 : i32
      %lt3A_217 = arith.cmpi slt, %add3A_216, %lt3A : i32
      %convert_element_type3A_218 = arith.extui %lt3A_217 : i1 to i32
      %cond3A_219 = arith.constant 0 : i32
      %cond3A_220 = arith.cmpi ne, %convert_element_type3A_218, %cond3A_219 : i32
      scf.if %cond3A_220 {
        %add3A_271 = arith.constant 2 : i32
        %add3A_272 = arith.addi %add3A_192, %add3A_271 : i32
        %dma_start3A_273 = arith.constant 0 : i32
        %dma_start3A_274 = arith.constant 0 : i32
        %dma_start3A_275 = tpu.memref_slice %arg9[%dma_start3A_273, %dma_start3A_274] : memref<128x128xf32, #tpu.memory_space<vmem>> -> memref<64x128xf32, #tpu.memory_space<vmem>>
        %dma_start3A_276 = arith.constant 0 : i32
        %dma_start3A_277 = tpu.memref_slice %arg7[%add3A_272, %dma_start3A_276] : memref<64x128xi32, #tpu.memory_space<vmem>> -> memref<1x64xi32, #tpu.memory_space<vmem>>
        %dma_start3A_278 = tpu.memref_squeeze %dma_start3A_277 : memref<1x64xi32, #tpu.memory_space<vmem>> -> memref<64xi32, #tpu.memory_space<vmem>>
        %dma_start3A_279 = arith.constant 0 : i32
        %dma_start3A_280 = arith.constant 0 : i32
        %dma_start3A_281 = tpu.memref_slice %arg4[%dma_start3A_279, %dma_start3A_280] : memref<100000x128xf32, #tpu.memory_space<hbm>> -> memref<100000x128xf32, #tpu.memory_space<hbm>>
        tpu.enqueue_indirect_dma source(%dma_start3A_281 : memref<100000x128xf32, #tpu.memory_space<hbm>>) target(%dma_start3A_275 : memref<64x128xf32, #tpu.memory_space<vmem>>) offsets(%dma_start3A_278 : memref<64xi32, #tpu.memory_space<vmem>>) semaphore(%arg15 : memref<!tpu.dma_semaphore, #tpu.memory_space<semaphore_mem>>)
        %dma_start3A_282 = arith.constant 0 : i32
        %dma_start3A_283 = arith.constant 0 : i32
        %dma_start3A_284 = tpu.memref_slice %arg11[%dma_start3A_282, %dma_start3A_283] : memref<128x128xf32, #tpu.memory_space<vmem>> -> memref<64x128xf32, #tpu.memory_space<vmem>>
        %dma_start3A_285 = arith.constant 0 : i32
        %dma_start3A_286 = tpu.memref_slice %arg8[%add3A_272, %dma_start3A_285] : memref<64x128xi32, #tpu.memory_space<vmem>> -> memref<1x64xi32, #tpu.memory_space<vmem>>
        %dma_start3A_287 = tpu.memref_squeeze %dma_start3A_286 : memref<1x64xi32, #tpu.memory_space<vmem>> -> memref<64xi32, #tpu.memory_space<vmem>>
        %dma_start3A_288 = arith.constant 0 : i32
        %dma_start3A_289 = arith.constant 0 : i32
        %dma_start3A_290 = tpu.memref_slice %arg5[%dma_start3A_288, %dma_start3A_289] : memref<1024x128xf32, #tpu.memory_space<hbm>> -> memref<1024x128xf32, #tpu.memory_space<hbm>>
        tpu.enqueue_indirect_dma source(%dma_start3A_290 : memref<1024x128xf32, #tpu.memory_space<hbm>>) target(%dma_start3A_284 : memref<64x128xf32, #tpu.memory_space<vmem>>) offsets(%dma_start3A_287 : memref<64xi32, #tpu.memory_space<vmem>>) semaphore(%arg15 : memref<!tpu.dma_semaphore, #tpu.memory_space<semaphore_mem>>)
        %dma_start3A_291 = arith.constant 64 : i32
        %dma_start3A_292 = arith.constant 0 : i32
        %dma_start3A_293 = tpu.memref_slice %arg9[%dma_start3A_291, %dma_start3A_292] : memref<128x128xf32, #tpu.memory_space<vmem>> -> memref<64x128xf32, #tpu.memory_space<vmem>>
        %dma_start3A_294 = arith.constant 64 : i32
        %dma_start3A_295 = tpu.memref_slice %arg7[%add3A_272, %dma_start3A_294] : memref<64x128xi32, #tpu.memory_space<vmem>> -> memref<1x64xi32, #tpu.memory_space<vmem>>
        %dma_start3A_296 = tpu.memref_squeeze %dma_start3A_295 : memref<1x64xi32, #tpu.memory_space<vmem>> -> memref<64xi32, #tpu.memory_space<vmem>>
        %dma_start3A_297 = arith.constant 0 : i32
        %dma_start3A_298 = arith.constant 0 : i32
        %dma_start3A_299 = tpu.memref_slice %arg4[%dma_start3A_297, %dma_start3A_298] : memref<100000x128xf32, #tpu.memory_space<hbm>> -> memref<100000x128xf32, #tpu.memory_space<hbm>>
        tpu.enqueue_indirect_dma source(%dma_start3A_299 : memref<100000x128xf32, #tpu.memory_space<hbm>>) target(%dma_start3A_293 : memref<64x128xf32, #tpu.memory_space<vmem>>) offsets(%dma_start3A_296 : memref<64xi32, #tpu.memory_space<vmem>>) semaphore(%arg15 : memref<!tpu.dma_semaphore, #tpu.memory_space<semaphore_mem>>)
        %dma_start3A_300 = arith.constant 64 : i32
        %dma_start3A_301 = arith.constant 0 : i32
        %dma_start3A_302 = tpu.memref_slice %arg11[%dma_start3A_300, %dma_start3A_301] : memref<128x128xf32, #tpu.memory_space<vmem>> -> memref<64x128xf32, #tpu.memory_space<vmem>>
        %dma_start3A_303 = arith.constant 64 : i32
        %dma_start3A_304 = tpu.memref_slice %arg8[%add3A_272, %dma_start3A_303] : memref<64x128xi32, #tpu.memory_space<vmem>> -> memref<1x64xi32, #tpu.memory_space<vmem>>
        %dma_start3A_305 = tpu.memref_squeeze %dma_start3A_304 : memref<1x64xi32, #tpu.memory_space<vmem>> -> memref<64xi32, #tpu.memory_space<vmem>>
        %dma_start3A_306 = arith.constant 0 : i32
        %dma_start3A_307 = arith.constant 0 : i32
        %dma_start3A_308 = tpu.memref_slice %arg5[%dma_start3A_306, %dma_start3A_307] : memref<1024x128xf32, #tpu.memory_space<hbm>> -> memref<1024x128xf32, #tpu.memory_space<hbm>>
        tpu.enqueue_indirect_dma source(%dma_start3A_308 : memref<1024x128xf32, #tpu.memory_space<hbm>>) target(%dma_start3A_302 : memref<64x128xf32, #tpu.memory_space<vmem>>) offsets(%dma_start3A_305 : memref<64xi32, #tpu.memory_space<vmem>>) semaphore(%arg15 : memref<!tpu.dma_semaphore, #tpu.memory_space<semaphore_mem>>)
      } else {
      }
      %add3A_221 = arith.addi %mul3A_2, %add3A_194 : i32
      %mul3A_222 = arith.constant 128 : i32
      %mul3A_223 = arith.muli %add3A_221, %mul3A_222 : i32
      %dma_start3A_224 = arith.constant 0 : i32
      %dma_start3A_225 = tpu.memref_slice %arg6[%mul3A_223, %dma_start3A_224] : memref<524288x128xf32, #tpu.memory_space<hbm>> -> memref<128x128xf32, #tpu.memory_space<hbm>>
      %dma_start3A_226 = arith.constant 0 : i32
      %dma_start3A_227 = tpu.memref_slice %arg6[%mul3A_223, %dma_start3A_226] : memref<524288x128xf32, #tpu.memory_space<hbm>> -> memref<128x128xf32, #tpu.memory_space<hbm>>
      tpu.enqueue_dma source(%arg13 : memref<128x128xf32, #tpu.memory_space<vmem>>) target(%dma_start3A_227 : memref<128x128xf32, #tpu.memory_space<hbm>>) target_semaphore(%arg17 : memref<!tpu.dma_semaphore, #tpu.memory_space<semaphore_mem>>)
      %mul3A_228 = arith.constant 2 : i32
      %mul3A_229 = arith.muli %mul3A_228, %scan3A_188 : i32
      %add3A_230 = arith.constant 1 : i32
      %add3A_231 = arith.addi %mul3A_229, %add3A_230 : i32
      %add3A_232 = arith.constant 0 : i32
      %add3A_233 = arith.addi %add3A_232, %add3A_231 : i32
      %dma_wait3A_234 = arith.constant 0 : i32
      %dma_wait3A_235 = arith.constant 0 : i32
      %dma_wait3A_236 = tpu.memref_slice %arg4[%dma_wait3A_234, %dma_wait3A_235] : memref<100000x128xf32, #tpu.memory_space<hbm>> -> memref<128x128xf32, #tpu.memory_space<hbm>>
      %dma_wait3A_237 = arith.constant 0 : i32
      %dma_wait3A_238 = arith.constant 0 : i32
      %dma_wait3A_239 = tpu.memref_slice %arg4[%dma_wait3A_237, %dma_wait3A_238] : memref<100000x128xf32, #tpu.memory_space<hbm>> -> memref<128x128xf32, #tpu.memory_space<hbm>>
      tpu.wait_dma2 semaphore(%arg16 : memref<!tpu.dma_semaphore, #tpu.memory_space<semaphore_mem>>) src(%dma_wait3A_239 : memref<128x128xf32, #tpu.memory_space<hbm>>) dst(%arg10 : memref<128x128xf32, #tpu.memory_space<vmem>>)
      %dma_wait3A_240 = arith.constant 0 : i32
      %dma_wait3A_241 = arith.constant 0 : i32
      %dma_wait3A_242 = tpu.memref_slice %arg4[%dma_wait3A_240, %dma_wait3A_241] : memref<100000x128xf32, #tpu.memory_space<hbm>> -> memref<128x128xf32, #tpu.memory_space<hbm>>
      %dma_wait3A_243 = arith.constant 0 : i32
      %dma_wait3A_244 = arith.constant 0 : i32
      %dma_wait3A_245 = tpu.memref_slice %arg4[%dma_wait3A_243, %dma_wait3A_244] : memref<100000x128xf32, #tpu.memory_space<hbm>> -> memref<128x128xf32, #tpu.memory_space<hbm>>
      tpu.wait_dma2 semaphore(%arg16 : memref<!tpu.dma_semaphore, #tpu.memory_space<semaphore_mem>>) src(%dma_wait3A_245 : memref<128x128xf32, #tpu.memory_space<hbm>>) dst(%arg12 : memref<128x128xf32, #tpu.memory_space<vmem>>)
      %ge3A_246 = arith.constant 2 : i32
      %ge3A_247 = arith.cmpi sge, %add3A_233, %ge3A_246 : i32
      %convert_element_type3A_248 = arith.extui %ge3A_247 : i1 to i32
      %cond3A_249 = arith.constant 0 : i32
      %cond3A_250 = arith.cmpi ne, %convert_element_type3A_248, %cond3A_249 : i32
      scf.if %cond3A_250 {
        %dma_wait3A_271 = arith.constant 0 : i32
        %dma_wait3A_272 = arith.constant 0 : i32
        %dma_wait3A_273 = tpu.memref_slice %arg6[%dma_wait3A_271, %dma_wait3A_272] : memref<524288x128xf32, #tpu.memory_space<hbm>> -> memref<128x128xf32, #tpu.memory_space<hbm>>
        %dma_wait3A_274 = arith.constant 0 : i32
        %dma_wait3A_275 = arith.constant 0 : i32
        %dma_wait3A_276 = tpu.memref_slice %arg6[%dma_wait3A_274, %dma_wait3A_275] : memref<524288x128xf32, #tpu.memory_space<hbm>> -> memref<128x128xf32, #tpu.memory_space<hbm>>
        tpu.wait_dma2 semaphore(%arg18 : memref<!tpu.dma_semaphore, #tpu.memory_space<semaphore_mem>>) src(%arg14 : memref<128x128xf32, #tpu.memory_space<vmem>>) dst(%dma_wait3A_276 : memref<128x128xf32, #tpu.memory_space<hbm>>)
      } else {
      }
      %scan3A_251 = arith.constant 0 : i32
      %scan3A_252 = arith.constant 0 : i32
      %scan3A_253 = arith.constant 128 : i32
      %scan3A_254 = arith.addi %scan3A_252, %scan3A_253 : i32
      %scan3A_255 = arith.constant 1 : i32
      scf.for %scan3A_271 = %scan3A_252 to %scan3A_254 step %scan3A_255  : i32 {
        %get3A = arith.index_cast %scan3A_271 : i32 to index
        %get3A_272 = arith.constant 0 : index
        %get3A_273 = tpu.vector_load %arg10[%get3A, %get3A_272] {strides = array<i32>} : memref<128x128xf32, #tpu.memory_space<vmem>>, vector<1x16xf32>,
        %get3A_274 = vector.shape_cast %get3A_273 : vector<1x16xf32> to vector<16xf32>
        %get3A_275 = arith.index_cast %scan3A_271 : i32 to index
        %get3A_276 = arith.constant 0 : index
        %get3A_277 = tpu.vector_load %arg12[%get3A_275, %get3A_276] {strides = array<i32>} : memref<128x128xf32, #tpu.memory_space<vmem>>, vector<1x16xf32>,
        %get3A_278 = vector.shape_cast %get3A_277 : vector<1x16xf32> to vector<16xf32>
        %add3A_279 = arith.addf %get3A_274, %get3A_278 : vector<16xf32>
        %swap3A = arith.index_cast %scan3A_271 : i32 to index
        %swap3A_280 = arith.constant 0 : index
        %swap3A_281 = tpu.vector_load %arg14[%swap3A, %swap3A_280] {strides = array<i32>} : memref<128x128xf32, #tpu.memory_space<vmem>>, vector<1x16xf32>,
        %swap3A_282 = vector.shape_cast %swap3A_281 : vector<1x16xf32> to vector<16xf32>
        %swap3A_283 = vector.shape_cast %add3A_279 : vector<16xf32> to vector<1x16xf32>
        tpu.vector_store %arg14[%swap3A, %swap3A_280], %swap3A_283 {strides = array<i32>} : memref<128x128xf32, #tpu.memory_space<vmem>>, vector<1x16xf32>,
        %get3A_284 = arith.index_cast %scan3A_271 : i32 to index
        %get3A_285 = arith.constant 16 : index
        %get3A_286 = tpu.vector_load %arg10[%get3A_284, %get3A_285] {strides = array<i32>} : memref<128x128xf32, #tpu.memory_space<vmem>>, vector<1x16xf32>,
        %get3A_287 = vector.shape_cast %get3A_286 : vector<1x16xf32> to vector<16xf32>
        %get3A_288 = arith.index_cast %scan3A_271 : i32 to index
        %get3A_289 = arith.constant 16 : index
        %get3A_290 = tpu.vector_load %arg12[%get3A_288, %get3A_289] {strides = array<i32>} : memref<128x128xf32, #tpu.memory_space<vmem>>, vector<1x16xf32>,
        %get3A_291 = vector.shape_cast %get3A_290 : vector<1x16xf32> to vector<16xf32>
        %add3A_292 = arith.addf %get3A_287, %get3A_291 : vector<16xf32>
        %swap3A_293 = arith.index_cast %scan3A_271 : i32 to index
        %swap3A_294 = arith.constant 16 : index
        %swap3A_295 = tpu.vector_load %arg14[%swap3A_293, %swap3A_294] {strides = array<i32>} : memref<128x128xf32, #tpu.memory_space<vmem>>, vector<1x16xf32>,
        %swap3A_296 = vector.shape_cast %swap3A_295 : vector<1x16xf32> to vector<16xf32>
        %swap3A_297 = vector.shape_cast %add3A_292 : vector<16xf32> to vector<1x16xf32>
        tpu.vector_store %arg14[%swap3A_293, %swap3A_294], %swap3A_297 {strides = array<i32>} : memref<128x128xf32, #tpu.memory_space<vmem>>, vector<1x16xf32>,
        %get3A_298 = arith.index_cast %scan3A_271 : i32 to index
        %get3A_299 = arith.constant 32 : index
        %get3A_300 = tpu.vector_load %arg10[%get3A_298, %get3A_299] {strides = array<i32>} : memref<128x128xf32, #tpu.memory_space<vmem>>, vector<1x16xf32>,
        %get3A_301 = vector.shape_cast %get3A_300 : vector<1x16xf32> to vector<16xf32>
        %get3A_302 = arith.index_cast %scan3A_271 : i32 to index
        %get3A_303 = arith.constant 32 : index
        %get3A_304 = tpu.vector_load %arg12[%get3A_302, %get3A_303] {strides = array<i32>} : memref<128x128xf32, #tpu.memory_space<vmem>>, vector<1x16xf32>,
        %get3A_305 = vector.shape_cast %get3A_304 : vector<1x16xf32> to vector<16xf32>
        %add3A_306 = arith.addf %get3A_301, %get3A_305 : vector<16xf32>
        %swap3A_307 = arith.index_cast %scan3A_271 : i32 to index
        %swap3A_308 = arith.constant 32 : index
        %swap3A_309 = tpu.vector_load %arg14[%swap3A_307, %swap3A_308] {strides = array<i32>} : memref<128x128xf32, #tpu.memory_space<vmem>>, vector<1x16xf32>,
        %swap3A_310 = vector.shape_cast %swap3A_309 : vector<1x16xf32> to vector<16xf32>
        %swap3A_311 = vector.shape_cast %add3A_306 : vector<16xf32> to vector<1x16xf32>
        tpu.vector_store %arg14[%swap3A_307, %swap3A_308], %swap3A_311 {strides = array<i32>} : memref<128x128xf32, #tpu.memory_space<vmem>>, vector<1x16xf32>,
        %get3A_312 = arith.index_cast %scan3A_271 : i32 to index
        %get3A_313 = arith.constant 48 : index
        %get3A_314 = tpu.vector_load %arg10[%get3A_312, %get3A_313] {strides = array<i32>} : memref<128x128xf32, #tpu.memory_space<vmem>>, vector<1x16xf32>,
        %get3A_315 = vector.shape_cast %get3A_314 : vector<1x16xf32> to vector<16xf32>
        %get3A_316 = arith.index_cast %scan3A_271 : i32 to index
        %get3A_317 = arith.constant 48 : index
        %get3A_318 = tpu.vector_load %arg12[%get3A_316, %get3A_317] {strides = array<i32>} : memref<128x128xf32, #tpu.memory_space<vmem>>, vector<1x16xf32>,
        %get3A_319 = vector.shape_cast %get3A_318 : vector<1x16xf32> to vector<16xf32>
        %add3A_320 = arith.addf %get3A_315, %get3A_319 : vector<16xf32>
        %swap3A_321 = arith.index_cast %scan3A_271 : i32 to index
        %swap3A_322 = arith.constant 48 : index
        %swap3A_323 = tpu.vector_load %arg14[%swap3A_321, %swap3A_322] {strides = array<i32>} : memref<128x128xf32, #tpu.memory_space<vmem>>, vector<1x16xf32>,
        %swap3A_324 = vector.shape_cast %swap3A_323 : vector<1x16xf32> to vector<16xf32>
        %swap3A_325 = vector.shape_cast %add3A_320 : vector<16xf32> to vector<1x16xf32>
        tpu.vector_store %arg14[%swap3A_321, %swap3A_322], %swap3A_325 {strides = array<i32>} : memref<128x128xf32, #tpu.memory_space<vmem>>, vector<1x16xf32>,
        %get3A_326 = arith.index_cast %scan3A_271 : i32 to index
        %get3A_327 = arith.constant 64 : index
        %get3A_328 = tpu.vector_load %arg10[%get3A_326, %get3A_327] {strides = array<i32>} : memref<128x128xf32, #tpu.memory_space<vmem>>, vector<1x16xf32>,
        %get3A_329 = vector.shape_cast %get3A_328 : vector<1x16xf32> to vector<16xf32>
        %get3A_330 = arith.index_cast %scan3A_271 : i32 to index
        %get3A_331 = arith.constant 64 : index
        %get3A_332 = tpu.vector_load %arg12[%get3A_330, %get3A_331] {strides = array<i32>} : memref<128x128xf32, #tpu.memory_space<vmem>>, vector<1x16xf32>,
        %get3A_333 = vector.shape_cast %get3A_332 : vector<1x16xf32> to vector<16xf32>
        %add3A_334 = arith.addf %get3A_329, %get3A_333 : vector<16xf32>
        %swap3A_335 = arith.index_cast %scan3A_271 : i32 to index
        %swap3A_336 = arith.constant 64 : index
        %swap3A_337 = tpu.vector_load %arg14[%swap3A_335, %swap3A_336] {strides = array<i32>} : memref<128x128xf32, #tpu.memory_space<vmem>>, vector<1x16xf32>,
        %swap3A_338 = vector.shape_cast %swap3A_337 : vector<1x16xf32> to vector<16xf32>
        %swap3A_339 = vector.shape_cast %add3A_334 : vector<16xf32> to vector<1x16xf32>
        tpu.vector_store %arg14[%swap3A_335, %swap3A_336], %swap3A_339 {strides = array<i32>} : memref<128x128xf32, #tpu.memory_space<vmem>>, vector<1x16xf32>,
        %get3A_340 = arith.index_cast %scan3A_271 : i32 to index
        %get3A_341 = arith.constant 80 : index
        %get3A_342 = tpu.vector_load %arg10[%get3A_340, %get3A_341] {strides = array<i32>} : memref<128x128xf32, #tpu.memory_space<vmem>>, vector<1x16xf32>,
        %get3A_343 = vector.shape_cast %get3A_342 : vector<1x16xf32> to vector<16xf32>
        %get3A_344 = arith.index_cast %scan3A_271 : i32 to index
        %get3A_345 = arith.constant 80 : index
        %get3A_346 = tpu.vector_load %arg12[%get3A_344, %get3A_345] {strides = array<i32>} : memref<128x128xf32, #tpu.memory_space<vmem>>, vector<1x16xf32>,
        %get3A_347 = vector.shape_cast %get3A_346 : vector<1x16xf32> to vector<16xf32>
        %add3A_348 = arith.addf %get3A_343, %get3A_347 : vector<16xf32>
        %swap3A_349 = arith.index_cast %scan3A_271 : i32 to index
        %swap3A_350 = arith.constant 80 : index
        %swap3A_351 = tpu.vector_load %arg14[%swap3A_349, %swap3A_350] {strides = array<i32>} : memref<128x128xf32, #tpu.memory_space<vmem>>, vector<1x16xf32>,
        %swap3A_352 = vector.shape_cast %swap3A_351 : vector<1x16xf32> to vector<16xf32>
        %swap3A_353 = vector.shape_cast %add3A_348 : vector<16xf32> to vector<1x16xf32>
        tpu.vector_store %arg14[%swap3A_349, %swap3A_350], %swap3A_353 {strides = array<i32>} : memref<128x128xf32, #tpu.memory_space<vmem>>, vector<1x16xf32>,
        %get3A_354 = arith.index_cast %scan3A_271 : i32 to index
        %get3A_355 = arith.constant 96 : index
        %get3A_356 = tpu.vector_load %arg10[%get3A_354, %get3A_355] {strides = array<i32>} : memref<128x128xf32, #tpu.memory_space<vmem>>, vector<1x16xf32>,
        %get3A_357 = vector.shape_cast %get3A_356 : vector<1x16xf32> to vector<16xf32>
        %get3A_358 = arith.index_cast %scan3A_271 : i32 to index
        %get3A_359 = arith.constant 96 : index
        %get3A_360 = tpu.vector_load %arg12[%get3A_358, %get3A_359] {strides = array<i32>} : memref<128x128xf32, #tpu.memory_space<vmem>>, vector<1x16xf32>,
        %get3A_361 = vector.shape_cast %get3A_360 : vector<1x16xf32> to vector<16xf32>
        %add3A_362 = arith.addf %get3A_357, %get3A_361 : vector<16xf32>
        %swap3A_363 = arith.index_cast %scan3A_271 : i32 to index
        %swap3A_364 = arith.constant 96 : index
        %swap3A_365 = tpu.vector_load %arg14[%swap3A_363, %swap3A_364] {strides = array<i32>} : memref<128x128xf32, #tpu.memory_space<vmem>>, vector<1x16xf32>,
        %swap3A_366 = vector.shape_cast %swap3A_365 : vector<1x16xf32> to vector<16xf32>
        %swap3A_367 = vector.shape_cast %add3A_362 : vector<16xf32> to vector<1x16xf32>
        tpu.vector_store %arg14[%swap3A_363, %swap3A_364], %swap3A_367 {strides = array<i32>} : memref<128x128xf32, #tpu.memory_space<vmem>>, vector<1x16xf32>,
        %get3A_368 = arith.index_cast %scan3A_271 : i32 to index
        %get3A_369 = arith.constant 112 : index
        %get3A_370 = tpu.vector_load %arg10[%get3A_368, %get3A_369] {strides = array<i32>} : memref<128x128xf32, #tpu.memory_space<vmem>>, vector<1x16xf32>,
        %get3A_371 = vector.shape_cast %get3A_370 : vector<1x16xf32> to vector<16xf32>
        %get3A_372 = arith.index_cast %scan3A_271 : i32 to index
        %get3A_373 = arith.constant 112 : index
        %get3A_374 = tpu.vector_load %arg12[%get3A_372, %get3A_373] {strides = array<i32>} : memref<128x128xf32, #tpu.memory_space<vmem>>, vector<1x16xf32>,
        %get3A_375 = vector.shape_cast %get3A_374 : vector<1x16xf32> to vector<16xf32>
        %add3A_376 = arith.addf %get3A_371, %get3A_375 : vector<16xf32>
        %swap3A_377 = arith.index_cast %scan3A_271 : i32 to index
        %swap3A_378 = arith.constant 112 : index
        %swap3A_379 = tpu.vector_load %arg14[%swap3A_377, %swap3A_378] {strides = array<i32>} : memref<128x128xf32, #tpu.memory_space<vmem>>, vector<1x16xf32>,
        %swap3A_380 = vector.shape_cast %swap3A_379 : vector<1x16xf32> to vector<16xf32>
        %swap3A_381 = vector.shape_cast %add3A_376 : vector<16xf32> to vector<1x16xf32>
        tpu.vector_store %arg14[%swap3A_377, %swap3A_378], %swap3A_381 {strides = array<i32>} : memref<128x128xf32, #tpu.memory_space<vmem>>, vector<1x16xf32>,
      }
      %scan3A_256 = arith.constant 128 : i32
      %add3A_257 = arith.constant 2 : i32
      %add3A_258 = arith.addi %add3A_231, %add3A_257 : i32
      %lt3A_259 = arith.constant 64 : i32
      %lt3A_260 = arith.cmpi slt, %add3A_258, %lt3A_259 : i32
      %convert_element_type3A_261 = arith.extui %lt3A_260 : i1 to i32
      %cond3A_262 = arith.constant 0 : i32
      %cond3A_263 = arith.cmpi ne, %convert_element_type3A_261, %cond3A_262 : i32
      scf.if %cond3A_263 {
        %add3A_271 = arith.constant 2 : i32
        %add3A_272 = arith.addi %add3A_231, %add3A_271 : i32
        %dma_start3A_273 = arith.constant 0 : i32
        %dma_start3A_274 = arith.constant 0 : i32
        %dma_start3A_275 = tpu.memref_slice %arg10[%dma_start3A_273, %dma_start3A_274] : memref<128x128xf32, #tpu.memory_space<vmem>> -> memref<64x128xf32, #tpu.memory_space<vmem>>
        %dma_start3A_276 = arith.constant 0 : i32
        %dma_start3A_277 = tpu.memref_slice %arg7[%add3A_272, %dma_start3A_276] : memref<64x128xi32, #tpu.memory_space<vmem>> -> memref<1x64xi32, #tpu.memory_space<vmem>>
        %dma_start3A_278 = tpu.memref_squeeze %dma_start3A_277 : memref<1x64xi32, #tpu.memory_space<vmem>> -> memref<64xi32, #tpu.memory_space<vmem>>
        %dma_start3A_279 = arith.constant 0 : i32
        %dma_start3A_280 = arith.constant 0 : i32
        %dma_start3A_281 = tpu.memref_slice %arg4[%dma_start3A_279, %dma_start3A_280] : memref<100000x128xf32, #tpu.memory_space<hbm>> -> memref<100000x128xf32, #tpu.memory_space<hbm>>
        tpu.enqueue_indirect_dma source(%dma_start3A_281 : memref<100000x128xf32, #tpu.memory_space<hbm>>) target(%dma_start3A_275 : memref<64x128xf32, #tpu.memory_space<vmem>>) offsets(%dma_start3A_278 : memref<64xi32, #tpu.memory_space<vmem>>) semaphore(%arg16 : memref<!tpu.dma_semaphore, #tpu.memory_space<semaphore_mem>>)
        %dma_start3A_282 = arith.constant 0 : i32
        %dma_start3A_283 = arith.constant 0 : i32
        %dma_start3A_284 = tpu.memref_slice %arg12[%dma_start3A_282, %dma_start3A_283] : memref<128x128xf32, #tpu.memory_space<vmem>> -> memref<64x128xf32, #tpu.memory_space<vmem>>
        %dma_start3A_285 = arith.constant 0 : i32
        %dma_start3A_286 = tpu.memref_slice %arg8[%add3A_272, %dma_start3A_285] : memref<64x128xi32, #tpu.memory_space<vmem>> -> memref<1x64xi32, #tpu.memory_space<vmem>>
        %dma_start3A_287 = tpu.memref_squeeze %dma_start3A_286 : memref<1x64xi32, #tpu.memory_space<vmem>> -> memref<64xi32, #tpu.memory_space<vmem>>
        %dma_start3A_288 = arith.constant 0 : i32
        %dma_start3A_289 = arith.constant 0 : i32
        %dma_start3A_290 = tpu.memref_slice %arg5[%dma_start3A_288, %dma_start3A_289] : memref<1024x128xf32, #tpu.memory_space<hbm>> -> memref<1024x128xf32, #tpu.memory_space<hbm>>
        tpu.enqueue_indirect_dma source(%dma_start3A_290 : memref<1024x128xf32, #tpu.memory_space<hbm>>) target(%dma_start3A_284 : memref<64x128xf32, #tpu.memory_space<vmem>>) offsets(%dma_start3A_287 : memref<64xi32, #tpu.memory_space<vmem>>) semaphore(%arg16 : memref<!tpu.dma_semaphore, #tpu.memory_space<semaphore_mem>>)
        %dma_start3A_291 = arith.constant 64 : i32
        %dma_start3A_292 = arith.constant 0 : i32
        %dma_start3A_293 = tpu.memref_slice %arg10[%dma_start3A_291, %dma_start3A_292] : memref<128x128xf32, #tpu.memory_space<vmem>> -> memref<64x128xf32, #tpu.memory_space<vmem>>
        %dma_start3A_294 = arith.constant 64 : i32
        %dma_start3A_295 = tpu.memref_slice %arg7[%add3A_272, %dma_start3A_294] : memref<64x128xi32, #tpu.memory_space<vmem>> -> memref<1x64xi32, #tpu.memory_space<vmem>>
        %dma_start3A_296 = tpu.memref_squeeze %dma_start3A_295 : memref<1x64xi32, #tpu.memory_space<vmem>> -> memref<64xi32, #tpu.memory_space<vmem>>
        %dma_start3A_297 = arith.constant 0 : i32
        %dma_start3A_298 = arith.constant 0 : i32
        %dma_start3A_299 = tpu.memref_slice %arg4[%dma_start3A_297, %dma_start3A_298] : memref<100000x128xf32, #tpu.memory_space<hbm>> -> memref<100000x128xf32, #tpu.memory_space<hbm>>
        tpu.enqueue_indirect_dma source(%dma_start3A_299 : memref<100000x128xf32, #tpu.memory_space<hbm>>) target(%dma_start3A_293 : memref<64x128xf32, #tpu.memory_space<vmem>>) offsets(%dma_start3A_296 : memref<64xi32, #tpu.memory_space<vmem>>) semaphore(%arg16 : memref<!tpu.dma_semaphore, #tpu.memory_space<semaphore_mem>>)
        %dma_start3A_300 = arith.constant 64 : i32
        %dma_start3A_301 = arith.constant 0 : i32
        %dma_start3A_302 = tpu.memref_slice %arg12[%dma_start3A_300, %dma_start3A_301] : memref<128x128xf32, #tpu.memory_space<vmem>> -> memref<64x128xf32, #tpu.memory_space<vmem>>
        %dma_start3A_303 = arith.constant 64 : i32
        %dma_start3A_304 = tpu.memref_slice %arg8[%add3A_272, %dma_start3A_303] : memref<64x128xi32, #tpu.memory_space<vmem>> -> memref<1x64xi32, #tpu.memory_space<vmem>>
        %dma_start3A_305 = tpu.memref_squeeze %dma_start3A_304 : memref<1x64xi32, #tpu.memory_space<vmem>> -> memref<64xi32, #tpu.memory_space<vmem>>
        %dma_start3A_306 = arith.constant 0 : i32
        %dma_start3A_307 = arith.constant 0 : i32
        %dma_start3A_308 = tpu.memref_slice %arg5[%dma_start3A_306, %dma_start3A_307] : memref<1024x128xf32, #tpu.memory_space<hbm>> -> memref<1024x128xf32, #tpu.memory_space<hbm>>
        tpu.enqueue_indirect_dma source(%dma_start3A_308 : memref<1024x128xf32, #tpu.memory_space<hbm>>) target(%dma_start3A_302 : memref<64x128xf32, #tpu.memory_space<vmem>>) offsets(%dma_start3A_305 : memref<64xi32, #tpu.memory_space<vmem>>) semaphore(%arg16 : memref<!tpu.dma_semaphore, #tpu.memory_space<semaphore_mem>>)
      } else {
      }
      %add3A_264 = arith.addi %mul3A_2, %add3A_233 : i32
      %mul3A_265 = arith.constant 128 : i32
      %mul3A_266 = arith.muli %add3A_264, %mul3A_265 : i32
      %dma_start3A_267 = arith.constant 0 : i32
      %dma_start3A_268 = tpu.memref_slice %arg6[%mul3A_266, %dma_start3A_267] : memref<524288x128xf32, #tpu.memory_space<hbm>> -> memref<128x128xf32, #tpu.memory_space<hbm>>
      %dma_start3A_269 = arith.constant 0 : i32
      %dma_start3A_270 = tpu.memref_slice %arg6[%mul3A_266, %dma_start3A_269] : memref<524288x128xf32, #tpu.memory_space<hbm>> -> memref<128x128xf32, #tpu.memory_space<hbm>>
      tpu.enqueue_dma source(%arg14 : memref<128x128xf32, #tpu.memory_space<vmem>>) target(%dma_start3A_270 : memref<128x128xf32, #tpu.memory_space<hbm>>) target_semaphore(%arg18 : memref<!tpu.dma_semaphore, #tpu.memory_space<semaphore_mem>>)
    }
    %scan3A_88 = arith.constant 32 : i32
    %add3A_89 = arith.constant 64 : i32
    %add3A_90 = arith.addi %mul3A_2, %add3A_89 : i32
    "tpu.region"() ({
      %run_scoped3A = tpu.sem_alloc : memref<!tpu.dma_semaphore, #tpu.memory_space<semaphore_mem>>
      %dma_start3A_188 = arith.constant 0 : i32
      %dma_start3A_189 = tpu.memref_slice %arg2[%add3A_90, %dma_start3A_188] : memref<4096x128xi32, #tpu.memory_space<hbm>> -> memref<64x128xi32, #tpu.memory_space<hbm>>
      %dma_start3A_190 = arith.constant 0 : i32
      %dma_start3A_191 = tpu.memref_slice %arg2[%add3A_90, %dma_start3A_190] : memref<4096x128xi32, #tpu.memory_space<hbm>> -> memref<64x128xi32, #tpu.memory_space<hbm>>
      tpu.enqueue_dma source(%dma_start3A_191 : memref<64x128xi32, #tpu.memory_space<hbm>>) target(%arg7 : memref<64x128xi32, #tpu.memory_space<vmem>>) target_semaphore(%run_scoped3A : memref<!tpu.dma_semaphore, #tpu.memory_space<semaphore_mem>>)
      %dma_wait3A_192 = arith.constant 0 : i32
      %dma_wait3A_193 = tpu.memref_slice %arg2[%add3A_90, %dma_wait3A_192] : memref<4096x128xi32, #tpu.memory_space<hbm>> -> memref<64x128xi32, #tpu.memory_space<hbm>>
      %dma_wait3A_194 = arith.constant 0 : i32
      %dma_wait3A_195 = tpu.memref_slice %arg2[%add3A_90, %dma_wait3A_194] : memref<4096x128xi32, #tpu.memory_space<hbm>> -> memref<64x128xi32, #tpu.memory_space<hbm>>
      tpu.wait_dma2 semaphore(%run_scoped3A : memref<!tpu.dma_semaphore, #tpu.memory_space<semaphore_mem>>) src(%dma_wait3A_195 : memref<64x128xi32, #tpu.memory_space<hbm>>) dst(%arg7 : memref<64x128xi32, #tpu.memory_space<vmem>>)
      tpu.yield
    }) : () -> ()
    "tpu.region"() ({
      %run_scoped3A = tpu.sem_alloc : memref<!tpu.dma_semaphore, #tpu.memory_space<semaphore_mem>>
      %dma_start3A_188 = arith.constant 0 : i32
      %dma_start3A_189 = tpu.memref_slice %arg3[%add3A_90, %dma_start3A_188] : memref<4096x128xi32, #tpu.memory_space<hbm>> -> memref<64x128xi32, #tpu.memory_space<hbm>>
      %dma_start3A_190 = arith.constant 0 : i32
      %dma_start3A_191 = tpu.memref_slice %arg3[%add3A_90, %dma_start3A_190] : memref<4096x128xi32, #tpu.memory_space<hbm>> -> memref<64x128xi32, #tpu.memory_space<hbm>>
      tpu.enqueue_dma source(%dma_start3A_191 : memref<64x128xi32, #tpu.memory_space<hbm>>) target(%arg8 : memref<64x128xi32, #tpu.memory_space<vmem>>) target_semaphore(%run_scoped3A : memref<!tpu.dma_semaphore, #tpu.memory_space<semaphore_mem>>)
      %dma_wait3A_192 = arith.constant 0 : i32
      %dma_wait3A_193 = tpu.memref_slice %arg3[%add3A_90, %dma_wait3A_192] : memref<4096x128xi32, #tpu.memory_space<hbm>> -> memref<64x128xi32, #tpu.memory_space<hbm>>
      %dma_wait3A_194 = arith.constant 0 : i32
      %dma_wait3A_195 = tpu.memref_slice %arg3[%add3A_90, %dma_wait3A_194] : memref<4096x128xi32, #tpu.memory_space<hbm>> -> memref<64x128xi32, #tpu.memory_space<hbm>>
      tpu.wait_dma2 semaphore(%run_scoped3A : memref<!tpu.dma_semaphore, #tpu.memory_space<semaphore_mem>>) src(%dma_wait3A_195 : memref<64x128xi32, #tpu.memory_space<hbm>>) dst(%arg8 : memref<64x128xi32, #tpu.memory_space<vmem>>)
      tpu.yield
    }) : () -> ()
    %dma_start3A_91 = arith.constant 0 : i32
    %dma_start3A_92 = arith.constant 0 : i32
    %dma_start3A_93 = arith.constant 0 : i32
    %dma_start3A_94 = tpu.memref_slice %arg9[%dma_start3A_92, %dma_start3A_93] : memref<128x128xf32, #tpu.memory_space<vmem>> -> memref<64x128xf32, #tpu.memory_space<vmem>>
    %dma_start3A_95 = arith.constant 0 : i32
    %dma_start3A_96 = tpu.memref_slice %arg7[%dma_start3A_91, %dma_start3A_95] : memref<64x128xi32, #tpu.memory_space<vmem>> -> memref<1x64xi32, #tpu.memory_space<vmem>>
    %dma_start3A_97 = tpu.memref_squeeze %dma_start3A_96 : memref<1x64xi32, #tpu.memory_space<vmem>> -> memref<64xi32, #tpu.memory_space<vmem>>
    %dma_start3A_98 = arith.constant 0 : i32
    %dma_start3A_99 = arith.constant 0 : i32
    %dma_start3A_100 = tpu.memref_slice %arg4[%dma_start3A_98, %dma_start3A_99] : memref<100000x128xf32, #tpu.memory_space<hbm>> -> memref<100000x128xf32, #tpu.memory_space<hbm>>
    tpu.enqueue_indirect_dma source(%dma_start3A_100 : memref<100000x128xf32, #tpu.memory_space<hbm>>) target(%dma_start3A_94 : memref<64x128xf32, #tpu.memory_space<vmem>>) offsets(%dma_start3A_97 : memref<64xi32, #tpu.memory_space<vmem>>) semaphore(%arg15 : memref<!tpu.dma_semaphore, #tpu.memory_space<semaphore_mem>>)
    %dma_start3A_101 = arith.constant 0 : i32
    %dma_start3A_102 = arith.constant 0 : i32
    %dma_start3A_103 = arith.constant 0 : i32
    %dma_start3A_104 = tpu.memref_slice %arg11[%dma_start3A_102, %dma_start3A_103] : memref<128x128xf32, #tpu.memory_space<vmem>> -> memref<64x128xf32, #tpu.memory_space<vmem>>
    %dma_start3A_105 = arith.constant 0 : i32
    %dma_start3A_106 = tpu.memref_slice %arg8[%dma_start3A_101, %dma_start3A_105] : memref<64x128xi32, #tpu.memory_space<vmem>> -> memref<1x64xi32, #tpu.memory_space<vmem>>
    %dma_start3A_107 = tpu.memref_squeeze %dma_start3A_106 : memref<1x64xi32, #tpu.memory_space<vmem>> -> memref<64xi32, #tpu.memory_space<vmem>>
    %dma_start3A_108 = arith.constant 0 : i32
    %dma_start3A_109 = arith.constant 0 : i32
    %dma_start3A_110 = tpu.memref_slice %arg5[%dma_start3A_108, %dma_start3A_109] : memref<1024x128xf32, #tpu.memory_space<hbm>> -> memref<1024x128xf32, #tpu.memory_space<hbm>>
    tpu.enqueue_indirect_dma source(%dma_start3A_110 : memref<1024x128xf32, #tpu.memory_space<hbm>>) target(%dma_start3A_104 : memref<64x128xf32, #tpu.memory_space<vmem>>) offsets(%dma_start3A_107 : memref<64xi32, #tpu.memory_space<vmem>>) semaphore(%arg15 : memref<!tpu.dma_semaphore, #tpu.memory_space<semaphore_mem>>)
    %dma_start3A_111 = arith.constant 0 : i32
    %dma_start3A_112 = arith.constant 64 : i32
    %dma_start3A_113 = arith.constant 0 : i32
    %dma_start3A_114 = tpu.memref_slice %arg9[%dma_start3A_112, %dma_start3A_113] : memref<128x128xf32, #tpu.memory_space<vmem>> -> memref<64x128xf32, #tpu.memory_space<vmem>>
    %dma_start3A_115 = arith.constant 64 : i32
    %dma_start3A_116 = tpu.memref_slice %arg7[%dma_start3A_111, %dma_start3A_115] : memref<64x128xi32, #tpu.memory_space<vmem>> -> memref<1x64xi32, #tpu.memory_space<vmem>>
    %dma_start3A_117 = tpu.memref_squeeze %dma_start3A_116 : memref<1x64xi32, #tpu.memory_space<vmem>> -> memref<64xi32, #tpu.memory_space<vmem>>
    %dma_start3A_118 = arith.constant 0 : i32
    %dma_start3A_119 = arith.constant 0 : i32
    %dma_start3A_120 = tpu.memref_slice %arg4[%dma_start3A_118, %dma_start3A_119] : memref<100000x128xf32, #tpu.memory_space<hbm>> -> memref<100000x128xf32, #tpu.memory_space<hbm>>
    tpu.enqueue_indirect_dma source(%dma_start3A_120 : memref<100000x128xf32, #tpu.memory_space<hbm>>) target(%dma_start3A_114 : memref<64x128xf32, #tpu.memory_space<vmem>>) offsets(%dma_start3A_117 : memref<64xi32, #tpu.memory_space<vmem>>) semaphore(%arg15 : memref<!tpu.dma_semaphore, #tpu.memory_space<semaphore_mem>>)
    %dma_start3A_121 = arith.constant 0 : i32
    %dma_start3A_122 = arith.constant 64 : i32
    %dma_start3A_123 = arith.constant 0 : i32
    %dma_start3A_124 = tpu.memref_slice %arg11[%dma_start3A_122, %dma_start3A_123] : memref<128x128xf32, #tpu.memory_space<vmem>> -> memref<64x128xf32, #tpu.memory_space<vmem>>
    %dma_start3A_125 = arith.constant 64 : i32
    %dma_start3A_126 = tpu.memref_slice %arg8[%dma_start3A_121, %dma_start3A_125] : memref<64x128xi32, #tpu.memory_space<vmem>> -> memref<1x64xi32, #tpu.memory_space<vmem>>
    %dma_start3A_127 = tpu.memref_squeeze %dma_start3A_126 : memref<1x64xi32, #tpu.memory_space<vmem>> -> memref<64xi32, #tpu.memory_space<vmem>>
    %dma_start3A_128 = arith.constant 0 : i32
    %dma_start3A_129 = arith.constant 0 : i32
    %dma_start3A_130 = tpu.memref_slice %arg5[%dma_start3A_128, %dma_start3A_129] : memref<1024x128xf32, #tpu.memory_space<hbm>> -> memref<1024x128xf32, #tpu.memory_space<hbm>>
    tpu.enqueue_indirect_dma source(%dma_start3A_130 : memref<1024x128xf32, #tpu.memory_space<hbm>>) target(%dma_start3A_124 : memref<64x128xf32, #tpu.memory_space<vmem>>) offsets(%dma_start3A_127 : memref<64xi32, #tpu.memory_space<vmem>>) semaphore(%arg15 : memref<!tpu.dma_semaphore, #tpu.memory_space<semaphore_mem>>)
    %dma_start3A_131 = arith.constant 1 : i32
    %dma_start3A_132 = arith.constant 0 : i32
    %dma_start3A_133 = arith.constant 0 : i32
    %dma_start3A_134 = tpu.memref_slice %arg10[%dma_start3A_132, %dma_start3A_133] : memref<128x128xf32, #tpu.memory_space<vmem>> -> memref<64x128xf32, #tpu.memory_space<vmem>>
    %dma_start3A_135 = arith.constant 0 : i32
    %dma_start3A_136 = tpu.memref_slice %arg7[%dma_start3A_131, %dma_start3A_135] : memref<64x128xi32, #tpu.memory_space<vmem>> -> memref<1x64xi32, #tpu.memory_space<vmem>>
    %dma_start3A_137 = tpu.memref_squeeze %dma_start3A_136 : memref<1x64xi32, #tpu.memory_space<vmem>> -> memref<64xi32, #tpu.memory_space<vmem>>
    %dma_start3A_138 = arith.constant 0 : i32
    %dma_start3A_139 = arith.constant 0 : i32
    %dma_start3A_140 = tpu.memref_slice %arg4[%dma_start3A_138, %dma_start3A_139] : memref<100000x128xf32, #tpu.memory_space<hbm>> -> memref<100000x128xf32, #tpu.memory_space<hbm>>
    tpu.enqueue_indirect_dma source(%dma_start3A_140 : memref<100000x128xf32, #tpu.memory_space<hbm>>) target(%dma_start3A_134 : memref<64x128xf32, #tpu.memory_space<vmem>>) offsets(%dma_start3A_137 : memref<64xi32, #tpu.memory_space<vmem>>) semaphore(%arg16 : memref<!tpu.dma_semaphore, #tpu.memory_space<semaphore_mem>>)
    %dma_start3A_141 = arith.constant 1 : i32
    %dma_start3A_142 = arith.constant 0 : i32
    %dma_start3A_143 = arith.constant 0 : i32
    %dma_start3A_144 = tpu.memref_slice %arg12[%dma_start3A_142, %dma_start3A_143] : memref<128x128xf32, #tpu.memory_space<vmem>> -> memref<64x128xf32, #tpu.memory_space<vmem>>
    %dma_start3A_145 = arith.constant 0 : i32
    %dma_start3A_146 = tpu.memref_slice %arg8[%dma_start3A_141, %dma_start3A_145] : memref<64x128xi32, #tpu.memory_space<vmem>> -> memref<1x64xi32, #tpu.memory_space<vmem>>
    %dma_start3A_147 = tpu.memref_squeeze %dma_start3A_146 : memref<1x64xi32, #tpu.memory_space<vmem>> -> memref<64xi32, #tpu.memory_space<vmem>>
    %dma_start3A_148 = arith.constant 0 : i32
    %dma_start3A_149 = arith.constant 0 : i32
    %dma_start3A_150 = tpu.memref_slice %arg5[%dma_start3A_148, %dma_start3A_149] : memref<1024x128xf32, #tpu.memory_space<hbm>> -> memref<1024x128xf32, #tpu.memory_space<hbm>>
    tpu.enqueue_indirect_dma source(%dma_start3A_150 : memref<1024x128xf32, #tpu.memory_space<hbm>>) target(%dma_start3A_144 : memref<64x128xf32, #tpu.memory_space<vmem>>) offsets(%dma_start3A_147 : memref<64xi32, #tpu.memory_space<vmem>>) semaphore(%arg16 : memref<!tpu.dma_semaphore, #tpu.memory_space<semaphore_mem>>)
    %dma_start3A_151 = arith.constant 1 : i32
    %dma_start3A_152 = arith.constant 64 : i32
    %dma_start3A_153 = arith.constant 0 : i32
    %dma_start3A_154 = tpu.memref_slice %arg10[%dma_start3A_152, %dma_start3A_153] : memref<128x128xf32, #tpu.memory_space<vmem>> -> memref<64x128xf32, #tpu.memory_space<vmem>>
    %dma_start3A_155 = arith.constant 64 : i32
    %dma_start3A_156 = tpu.memref_slice %arg7[%dma_start3A_151, %dma_start3A_155] : memref<64x128xi32, #tpu.memory_space<vmem>> -> memref<1x64xi32, #tpu.memory_space<vmem>>
    %dma_start3A_157 = tpu.memref_squeeze %dma_start3A_156 : memref<1x64xi32, #tpu.memory_space<vmem>> -> memref<64xi32, #tpu.memory_space<vmem>>
    %dma_start3A_158 = arith.constant 0 : i32
    %dma_start3A_159 = arith.constant 0 : i32
    %dma_start3A_160 = tpu.memref_slice %arg4[%dma_start3A_158, %dma_start3A_159] : memref<100000x128xf32, #tpu.memory_space<hbm>> -> memref<100000x128xf32, #tpu.memory_space<hbm>>
    tpu.enqueue_indirect_dma source(%dma_start3A_160 : memref<100000x128xf32, #tpu.memory_space<hbm>>) target(%dma_start3A_154 : memref<64x128xf32, #tpu.memory_space<vmem>>) offsets(%dma_start3A_157 : memref<64xi32, #tpu.memory_space<vmem>>) semaphore(%arg16 : memref<!tpu.dma_semaphore, #tpu.memory_space<semaphore_mem>>)
    %dma_start3A_161 = arith.constant 1 : i32
    %dma_start3A_162 = arith.constant 64 : i32
    %dma_start3A_163 = arith.constant 0 : i32
    %dma_start3A_164 = tpu.memref_slice %arg12[%dma_start3A_162, %dma_start3A_163] : memref<128x128xf32, #tpu.memory_space<vmem>> -> memref<64x128xf32, #tpu.memory_space<vmem>>
    %dma_start3A_165 = arith.constant 64 : i32
    %dma_start3A_166 = tpu.memref_slice %arg8[%dma_start3A_161, %dma_start3A_165] : memref<64x128xi32, #tpu.memory_space<vmem>> -> memref<1x64xi32, #tpu.memory_space<vmem>>
    %dma_start3A_167 = tpu.memref_squeeze %dma_start3A_166 : memref<1x64xi32, #tpu.memory_space<vmem>> -> memref<64xi32, #tpu.memory_space<vmem>>
    %dma_start3A_168 = arith.constant 0 : i32
    %dma_start3A_169 = arith.constant 0 : i32
    %dma_start3A_170 = tpu.memref_slice %arg5[%dma_start3A_168, %dma_start3A_169] : memref<1024x128xf32, #tpu.memory_space<hbm>> -> memref<1024x128xf32, #tpu.memory_space<hbm>>
    tpu.enqueue_indirect_dma source(%dma_start3A_170 : memref<1024x128xf32, #tpu.memory_space<hbm>>) target(%dma_start3A_164 : memref<64x128xf32, #tpu.memory_space<vmem>>) offsets(%dma_start3A_167 : memref<64xi32, #tpu.memory_space<vmem>>) semaphore(%arg16 : memref<!tpu.dma_semaphore, #tpu.memory_space<semaphore_mem>>)
    %scan3A_171 = arith.constant 0 : i32
    %scan3A_172 = arith.constant 0 : i32
    %scan3A_173 = arith.constant 32 : i32
    %scan3A_174 = arith.addi %scan3A_172, %scan3A_173 : i32
    %scan3A_175 = arith.constant 1 : i32
    scf.for %scan3A_188 = %scan3A_172 to %scan3A_174 step %scan3A_175  : i32 {
      %mul3A_189 = arith.constant 2 : i32
      %mul3A_190 = arith.muli %mul3A_189, %scan3A_188 : i32
      %add3A_191 = arith.constant 0 : i32
      %add3A_192 = arith.addi %mul3A_190, %add3A_191 : i32
      %add3A_193 = arith.constant 64 : i32
      %add3A_194 = arith.addi %add3A_193, %add3A_192 : i32
      %dma_wait3A_195 = arith.constant 0 : i32
      %dma_wait3A_196 = arith.constant 0 : i32
      %dma_wait3A_197 = tpu.memref_slice %arg4[%dma_wait3A_195, %dma_wait3A_196] : memref<100000x128xf32, #tpu.memory_space<hbm>> -> memref<128x128xf32, #tpu.memory_space<hbm>>
      %dma_wait3A_198 = arith.constant 0 : i32
      %dma_wait3A_199 = arith.constant 0 : i32
      %dma_wait3A_200 = tpu.memref_slice %arg4[%dma_wait3A_198, %dma_wait3A_199] : memref<100000x128xf32, #tpu.memory_space<hbm>> -> memref<128x128xf32, #tpu.memory_space<hbm>>
      tpu.wait_dma2 semaphore(%arg15 : memref<!tpu.dma_semaphore, #tpu.memory_space<semaphore_mem>>) src(%dma_wait3A_200 : memref<128x128xf32, #tpu.memory_space<hbm>>) dst(%arg9 : memref<128x128xf32, #tpu.memory_space<vmem>>)
      %dma_wait3A_201 = arith.constant 0 : i32
      %dma_wait3A_202 = arith.constant 0 : i32
      %dma_wait3A_203 = tpu.memref_slice %arg4[%dma_wait3A_201, %dma_wait3A_202] : memref<100000x128xf32, #tpu.memory_space<hbm>> -> memref<128x128xf32, #tpu.memory_space<hbm>>
      %dma_wait3A_204 = arith.constant 0 : i32
      %dma_wait3A_205 = arith.constant 0 : i32
      %dma_wait3A_206 = tpu.memref_slice %arg4[%dma_wait3A_204, %dma_wait3A_205] : memref<100000x128xf32, #tpu.memory_space<hbm>> -> memref<128x128xf32, #tpu.memory_space<hbm>>
      tpu.wait_dma2 semaphore(%arg15 : memref<!tpu.dma_semaphore, #tpu.memory_space<semaphore_mem>>) src(%dma_wait3A_206 : memref<128x128xf32, #tpu.memory_space<hbm>>) dst(%arg11 : memref<128x128xf32, #tpu.memory_space<vmem>>)
      %ge3A = arith.constant 2 : i32
      %ge3A_207 = arith.cmpi sge, %add3A_194, %ge3A : i32
      %convert_element_type3A = arith.extui %ge3A_207 : i1 to i32
      %cond3A = arith.constant 0 : i32
      %cond3A_208 = arith.cmpi ne, %convert_element_type3A, %cond3A : i32
      scf.if %cond3A_208 {
        %dma_wait3A_271 = arith.constant 0 : i32
        %dma_wait3A_272 = arith.constant 0 : i32
        %dma_wait3A_273 = tpu.memref_slice %arg6[%dma_wait3A_271, %dma_wait3A_272] : memref<524288x128xf32, #tpu.memory_space<hbm>> -> memref<128x128xf32, #tpu.memory_space<hbm>>
        %dma_wait3A_274 = arith.constant 0 : i32
        %dma_wait3A_275 = arith.constant 0 : i32
        %dma_wait3A_276 = tpu.memref_slice %arg6[%dma_wait3A_274, %dma_wait3A_275] : memref<524288x128xf32, #tpu.memory_space<hbm>> -> memref<128x128xf32, #tpu.memory_space<hbm>>
        tpu.wait_dma2 semaphore(%arg17 : memref<!tpu.dma_semaphore, #tpu.memory_space<semaphore_mem>>) src(%arg13 : memref<128x128xf32, #tpu.memory_space<vmem>>) dst(%dma_wait3A_276 : memref<128x128xf32, #tpu.memory_space<hbm>>)
      } else {
      }
      %scan3A_209 = arith.constant 0 : i32
      %scan3A_210 = arith.constant 0 : i32
      %scan3A_211 = arith.constant 128 : i32
      %scan3A_212 = arith.addi %scan3A_210, %scan3A_211 : i32
      %scan3A_213 = arith.constant 1 : i32
      scf.for %scan3A_271 = %scan3A_210 to %scan3A_212 step %scan3A_213  : i32 {
        %get3A = arith.index_cast %scan3A_271 : i32 to index
        %get3A_272 = arith.constant 0 : index
        %get3A_273 = tpu.vector_load %arg9[%get3A, %get3A_272] {strides = array<i32>} : memref<128x128xf32, #tpu.memory_space<vmem>>, vector<1x16xf32>,
        %get3A_274 = vector.shape_cast %get3A_273 : vector<1x16xf32> to vector<16xf32>
        %get3A_275 = arith.index_cast %scan3A_271 : i32 to index
        %get3A_276 = arith.constant 0 : index
        %get3A_277 = tpu.vector_load %arg11[%get3A_275, %get3A_276] {strides = array<i32>} : memref<128x128xf32, #tpu.memory_space<vmem>>, vector<1x16xf32>,
        %get3A_278 = vector.shape_cast %get3A_277 : vector<1x16xf32> to vector<16xf32>
        %add3A_279 = arith.addf %get3A_274, %get3A_278 : vector<16xf32>
        %swap3A = arith.index_cast %scan3A_271 : i32 to index
        %swap3A_280 = arith.constant 0 : index
        %swap3A_281 = tpu.vector_load %arg13[%swap3A, %swap3A_280] {strides = array<i32>} : memref<128x128xf32, #tpu.memory_space<vmem>>, vector<1x16xf32>,
        %swap3A_282 = vector.shape_cast %swap3A_281 : vector<1x16xf32> to vector<16xf32>
        %swap3A_283 = vector.shape_cast %add3A_279 : vector<16xf32> to vector<1x16xf32>
        tpu.vector_store %arg13[%swap3A, %swap3A_280], %swap3A_283 {strides = array<i32>} : memref<128x128xf32, #tpu.memory_space<vmem>>, vector<1x16xf32>,
        %get3A_284 = arith.index_cast %scan3A_271 : i32 to index
        %get3A_285 = arith.constant 16 : index
        %get3A_286 = tpu.vector_load %arg9[%get3A_284, %get3A_285] {strides = array<i32>} : memref<128x128xf32, #tpu.memory_space<vmem>>, vector<1x16xf32>,
        %get3A_287 = vector.shape_cast %get3A_286 : vector<1x16xf32> to vector<16xf32>
        %get3A_288 = arith.index_cast %scan3A_271 : i32 to index
        %get3A_289 = arith.constant 16 : index
        %get3A_290 = tpu.vector_load %arg11[%get3A_288, %get3A_289] {strides = array<i32>} : memref<128x128xf32, #tpu.memory_space<vmem>>, vector<1x16xf32>,
        %get3A_291 = vector.shape_cast %get3A_290 : vector<1x16xf32> to vector<16xf32>
        %add3A_292 = arith.addf %get3A_287, %get3A_291 : vector<16xf32>
        %swap3A_293 = arith.index_cast %scan3A_271 : i32 to index
        %swap3A_294 = arith.constant 16 : index
        %swap3A_295 = tpu.vector_load %arg13[%swap3A_293, %swap3A_294] {strides = array<i32>} : memref<128x128xf32, #tpu.memory_space<vmem>>, vector<1x16xf32>,
        %swap3A_296 = vector.shape_cast %swap3A_295 : vector<1x16xf32> to vector<16xf32>
        %swap3A_297 = vector.shape_cast %add3A_292 : vector<16xf32> to vector<1x16xf32>
        tpu.vector_store %arg13[%swap3A_293, %swap3A_294], %swap3A_297 {strides = array<i32>} : memref<128x128xf32, #tpu.memory_space<vmem>>, vector<1x16xf32>,
        %get3A_298 = arith.index_cast %scan3A_271 : i32 to index
        %get3A_299 = arith.constant 32 : index
        %get3A_300 = tpu.vector_load %arg9[%get3A_298, %get3A_299] {strides = array<i32>} : memref<128x128xf32, #tpu.memory_space<vmem>>, vector<1x16xf32>,
        %get3A_301 = vector.shape_cast %get3A_300 : vector<1x16xf32> to vector<16xf32>
        %get3A_302 = arith.index_cast %scan3A_271 : i32 to index
        %get3A_303 = arith.constant 32 : index
        %get3A_304 = tpu.vector_load %arg11[%get3A_302, %get3A_303] {strides = array<i32>} : memref<128x128xf32, #tpu.memory_space<vmem>>, vector<1x16xf32>,
        %get3A_305 = vector.shape_cast %get3A_304 : vector<1x16xf32> to vector<16xf32>
        %add3A_306 = arith.addf %get3A_301, %get3A_305 : vector<16xf32>
        %swap3A_307 = arith.index_cast %scan3A_271 : i32 to index
        %swap3A_308 = arith.constant 32 : index
        %swap3A_309 = tpu.vector_load %arg13[%swap3A_307, %swap3A_308] {strides = array<i32>} : memref<128x128xf32, #tpu.memory_space<vmem>>, vector<1x16xf32>,
        %swap3A_310 = vector.shape_cast %swap3A_309 : vector<1x16xf32> to vector<16xf32>
        %swap3A_311 = vector.shape_cast %add3A_306 : vector<16xf32> to vector<1x16xf32>
        tpu.vector_store %arg13[%swap3A_307, %swap3A_308], %swap3A_311 {strides = array<i32>} : memref<128x128xf32, #tpu.memory_space<vmem>>, vector<1x16xf32>,
        %get3A_312 = arith.index_cast %scan3A_271 : i32 to index
        %get3A_313 = arith.constant 48 : index
        %get3A_314 = tpu.vector_load %arg9[%get3A_312, %get3A_313] {strides = array<i32>} : memref<128x128xf32, #tpu.memory_space<vmem>>, vector<1x16xf32>,
        %get3A_315 = vector.shape_cast %get3A_314 : vector<1x16xf32> to vector<16xf32>
        %get3A_316 = arith.index_cast %scan3A_271 : i32 to index
        %get3A_317 = arith.constant 48 : index
        %get3A_318 = tpu.vector_load %arg11[%get3A_316, %get3A_317] {strides = array<i32>} : memref<128x128xf32, #tpu.memory_space<vmem>>, vector<1x16xf32>,
        %get3A_319 = vector.shape_cast %get3A_318 : vector<1x16xf32> to vector<16xf32>
        %add3A_320 = arith.addf %get3A_315, %get3A_319 : vector<16xf32>
        %swap3A_321 = arith.index_cast %scan3A_271 : i32 to index
        %swap3A_322 = arith.constant 48 : index
        %swap3A_323 = tpu.vector_load %arg13[%swap3A_321, %swap3A_322] {strides = array<i32>} : memref<128x128xf32, #tpu.memory_space<vmem>>, vector<1x16xf32>,
        %swap3A_324 = vector.shape_cast %swap3A_323 : vector<1x16xf32> to vector<16xf32>
        %swap3A_325 = vector.shape_cast %add3A_320 : vector<16xf32> to vector<1x16xf32>
        tpu.vector_store %arg13[%swap3A_321, %swap3A_322], %swap3A_325 {strides = array<i32>} : memref<128x128xf32, #tpu.memory_space<vmem>>, vector<1x16xf32>,
        %get3A_326 = arith.index_cast %scan3A_271 : i32 to index
        %get3A_327 = arith.constant 64 : index
        %get3A_328 = tpu.vector_load %arg9[%get3A_326, %get3A_327] {strides = array<i32>} : memref<128x128xf32, #tpu.memory_space<vmem>>, vector<1x16xf32>,
        %get3A_329 = vector.shape_cast %get3A_328 : vector<1x16xf32> to vector<16xf32>
        %get3A_330 = arith.index_cast %scan3A_271 : i32 to index
        %get3A_331 = arith.constant 64 : index
        %get3A_332 = tpu.vector_load %arg11[%get3A_330, %get3A_331] {strides = array<i32>} : memref<128x128xf32, #tpu.memory_space<vmem>>, vector<1x16xf32>,
        %get3A_333 = vector.shape_cast %get3A_332 : vector<1x16xf32> to vector<16xf32>
        %add3A_334 = arith.addf %get3A_329, %get3A_333 : vector<16xf32>
        %swap3A_335 = arith.index_cast %scan3A_271 : i32 to index
        %swap3A_336 = arith.constant 64 : index
        %swap3A_337 = tpu.vector_load %arg13[%swap3A_335, %swap3A_336] {strides = array<i32>} : memref<128x128xf32, #tpu.memory_space<vmem>>, vector<1x16xf32>,
        %swap3A_338 = vector.shape_cast %swap3A_337 : vector<1x16xf32> to vector<16xf32>
        %swap3A_339 = vector.shape_cast %add3A_334 : vector<16xf32> to vector<1x16xf32>
        tpu.vector_store %arg13[%swap3A_335, %swap3A_336], %swap3A_339 {strides = array<i32>} : memref<128x128xf32, #tpu.memory_space<vmem>>, vector<1x16xf32>,
        %get3A_340 = arith.index_cast %scan3A_271 : i32 to index
        %get3A_341 = arith.constant 80 : index
        %get3A_342 = tpu.vector_load %arg9[%get3A_340, %get3A_341] {strides = array<i32>} : memref<128x128xf32, #tpu.memory_space<vmem>>, vector<1x16xf32>,
        %get3A_343 = vector.shape_cast %get3A_342 : vector<1x16xf32> to vector<16xf32>
        %get3A_344 = arith.index_cast %scan3A_271 : i32 to index
        %get3A_345 = arith.constant 80 : index
        %get3A_346 = tpu.vector_load %arg11[%get3A_344, %get3A_345] {strides = array<i32>} : memref<128x128xf32, #tpu.memory_space<vmem>>, vector<1x16xf32>,
        %get3A_347 = vector.shape_cast %get3A_346 : vector<1x16xf32> to vector<16xf32>
        %add3A_348 = arith.addf %get3A_343, %get3A_347 : vector<16xf32>
        %swap3A_349 = arith.index_cast %scan3A_271 : i32 to index
        %swap3A_350 = arith.constant 80 : index
        %swap3A_351 = tpu.vector_load %arg13[%swap3A_349, %swap3A_350] {strides = array<i32>} : memref<128x128xf32, #tpu.memory_space<vmem>>, vector<1x16xf32>,
        %swap3A_352 = vector.shape_cast %swap3A_351 : vector<1x16xf32> to vector<16xf32>
        %swap3A_353 = vector.shape_cast %add3A_348 : vector<16xf32> to vector<1x16xf32>
        tpu.vector_store %arg13[%swap3A_349, %swap3A_350], %swap3A_353 {strides = array<i32>} : memref<128x128xf32, #tpu.memory_space<vmem>>, vector<1x16xf32>,
        %get3A_354 = arith.index_cast %scan3A_271 : i32 to index
        %get3A_355 = arith.constant 96 : index
        %get3A_356 = tpu.vector_load %arg9[%get3A_354, %get3A_355] {strides = array<i32>} : memref<128x128xf32, #tpu.memory_space<vmem>>, vector<1x16xf32>,
        %get3A_357 = vector.shape_cast %get3A_356 : vector<1x16xf32> to vector<16xf32>
        %get3A_358 = arith.index_cast %scan3A_271 : i32 to index
        %get3A_359 = arith.constant 96 : index
        %get3A_360 = tpu.vector_load %arg11[%get3A_358, %get3A_359] {strides = array<i32>} : memref<128x128xf32, #tpu.memory_space<vmem>>, vector<1x16xf32>,
        %get3A_361 = vector.shape_cast %get3A_360 : vector<1x16xf32> to vector<16xf32>
        %add3A_362 = arith.addf %get3A_357, %get3A_361 : vector<16xf32>
        %swap3A_363 = arith.index_cast %scan3A_271 : i32 to index
        %swap3A_364 = arith.constant 96 : index
        %swap3A_365 = tpu.vector_load %arg13[%swap3A_363, %swap3A_364] {strides = array<i32>} : memref<128x128xf32, #tpu.memory_space<vmem>>, vector<1x16xf32>,
        %swap3A_366 = vector.shape_cast %swap3A_365 : vector<1x16xf32> to vector<16xf32>
        %swap3A_367 = vector.shape_cast %add3A_362 : vector<16xf32> to vector<1x16xf32>
        tpu.vector_store %arg13[%swap3A_363, %swap3A_364], %swap3A_367 {strides = array<i32>} : memref<128x128xf32, #tpu.memory_space<vmem>>, vector<1x16xf32>,
        %get3A_368 = arith.index_cast %scan3A_271 : i32 to index
        %get3A_369 = arith.constant 112 : index
        %get3A_370 = tpu.vector_load %arg9[%get3A_368, %get3A_369] {strides = array<i32>} : memref<128x128xf32, #tpu.memory_space<vmem>>, vector<1x16xf32>,
        %get3A_371 = vector.shape_cast %get3A_370 : vector<1x16xf32> to vector<16xf32>
        %get3A_372 = arith.index_cast %scan3A_271 : i32 to index
        %get3A_373 = arith.constant 112 : index
        %get3A_374 = tpu.vector_load %arg11[%get3A_372, %get3A_373] {strides = array<i32>} : memref<128x128xf32, #tpu.memory_space<vmem>>, vector<1x16xf32>,
        %get3A_375 = vector.shape_cast %get3A_374 : vector<1x16xf32> to vector<16xf32>
        %add3A_376 = arith.addf %get3A_371, %get3A_375 : vector<16xf32>
        %swap3A_377 = arith.index_cast %scan3A_271 : i32 to index
        %swap3A_378 = arith.constant 112 : index
        %swap3A_379 = tpu.vector_load %arg13[%swap3A_377, %swap3A_378] {strides = array<i32>} : memref<128x128xf32, #tpu.memory_space<vmem>>, vector<1x16xf32>,
        %swap3A_380 = vector.shape_cast %swap3A_379 : vector<1x16xf32> to vector<16xf32>
        %swap3A_381 = vector.shape_cast %add3A_376 : vector<16xf32> to vector<1x16xf32>
        tpu.vector_store %arg13[%swap3A_377, %swap3A_378], %swap3A_381 {strides = array<i32>} : memref<128x128xf32, #tpu.memory_space<vmem>>, vector<1x16xf32>,
      }
      %scan3A_214 = arith.constant 128 : i32
      %add3A_215 = arith.constant 2 : i32
      %add3A_216 = arith.addi %add3A_192, %add3A_215 : i32
      %lt3A = arith.constant 64 : i32
      %lt3A_217 = arith.cmpi slt, %add3A_216, %lt3A : i32
      %convert_element_type3A_218 = arith.extui %lt3A_217 : i1 to i32
      %cond3A_219 = arith.constant 0 : i32
      %cond3A_220 = arith.cmpi ne, %convert_element_type3A_218, %cond3A_219 : i32
      scf.if %cond3A_220 {
        %add3A_271 = arith.constant 2 : i32
        %add3A_272 = arith.addi %add3A_192, %add3A_271 : i32
        %dma_start3A_273 = arith.constant 0 : i32
        %dma_start3A_274 = arith.constant 0 : i32
        %dma_start3A_275 = tpu.memref_slice %arg9[%dma_start3A_273, %dma_start3A_274] : memref<128x128xf32, #tpu.memory_space<vmem>> -> memref<64x128xf32, #tpu.memory_space<vmem>>
        %dma_start3A_276 = arith.constant 0 : i32
        %dma_start3A_277 = tpu.memref_slice %arg7[%add3A_272, %dma_start3A_276] : memref<64x128xi32, #tpu.memory_space<vmem>> -> memref<1x64xi32, #tpu.memory_space<vmem>>
        %dma_start3A_278 = tpu.memref_squeeze %dma_start3A_277 : memref<1x64xi32, #tpu.memory_space<vmem>> -> memref<64xi32, #tpu.memory_space<vmem>>
        %dma_start3A_279 = arith.constant 0 : i32
        %dma_start3A_280 = arith.constant 0 : i32
        %dma_start3A_281 = tpu.memref_slice %arg4[%dma_start3A_279, %dma_start3A_280] : memref<100000x128xf32, #tpu.memory_space<hbm>> -> memref<100000x128xf32, #tpu.memory_space<hbm>>
        tpu.enqueue_indirect_dma source(%dma_start3A_281 : memref<100000x128xf32, #tpu.memory_space<hbm>>) target(%dma_start3A_275 : memref<64x128xf32, #tpu.memory_space<vmem>>) offsets(%dma_start3A_278 : memref<64xi32, #tpu.memory_space<vmem>>) semaphore(%arg15 : memref<!tpu.dma_semaphore, #tpu.memory_space<semaphore_mem>>)
        %dma_start3A_282 = arith.constant 0 : i32
        %dma_start3A_283 = arith.constant 0 : i32
        %dma_start3A_284 = tpu.memref_slice %arg11[%dma_start3A_282, %dma_start3A_283] : memref<128x128xf32, #tpu.memory_space<vmem>> -> memref<64x128xf32, #tpu.memory_space<vmem>>
        %dma_start3A_285 = arith.constant 0 : i32
        %dma_start3A_286 = tpu.memref_slice %arg8[%add3A_272, %dma_start3A_285] : memref<64x128xi32, #tpu.memory_space<vmem>> -> memref<1x64xi32, #tpu.memory_space<vmem>>
        %dma_start3A_287 = tpu.memref_squeeze %dma_start3A_286 : memref<1x64xi32, #tpu.memory_space<vmem>> -> memref<64xi32, #tpu.memory_space<vmem>>
        %dma_start3A_288 = arith.constant 0 : i32
        %dma_start3A_289 = arith.constant 0 : i32
        %dma_start3A_290 = tpu.memref_slice %arg5[%dma_start3A_288, %dma_start3A_289] : memref<1024x128xf32, #tpu.memory_space<hbm>> -> memref<1024x128xf32, #tpu.memory_space<hbm>>
        tpu.enqueue_indirect_dma source(%dma_start3A_290 : memref<1024x128xf32, #tpu.memory_space<hbm>>) target(%dma_start3A_284 : memref<64x128xf32, #tpu.memory_space<vmem>>) offsets(%dma_start3A_287 : memref<64xi32, #tpu.memory_space<vmem>>) semaphore(%arg15 : memref<!tpu.dma_semaphore, #tpu.memory_space<semaphore_mem>>)
        %dma_start3A_291 = arith.constant 64 : i32
        %dma_start3A_292 = arith.constant 0 : i32
        %dma_start3A_293 = tpu.memref_slice %arg9[%dma_start3A_291, %dma_start3A_292] : memref<128x128xf32, #tpu.memory_space<vmem>> -> memref<64x128xf32, #tpu.memory_space<vmem>>
        %dma_start3A_294 = arith.constant 64 : i32
        %dma_start3A_295 = tpu.memref_slice %arg7[%add3A_272, %dma_start3A_294] : memref<64x128xi32, #tpu.memory_space<vmem>> -> memref<1x64xi32, #tpu.memory_space<vmem>>
        %dma_start3A_296 = tpu.memref_squeeze %dma_start3A_295 : memref<1x64xi32, #tpu.memory_space<vmem>> -> memref<64xi32, #tpu.memory_space<vmem>>
        %dma_start3A_297 = arith.constant 0 : i32
        %dma_start3A_298 = arith.constant 0 : i32
        %dma_start3A_299 = tpu.memref_slice %arg4[%dma_start3A_297, %dma_start3A_298] : memref<100000x128xf32, #tpu.memory_space<hbm>> -> memref<100000x128xf32, #tpu.memory_space<hbm>>
        tpu.enqueue_indirect_dma source(%dma_start3A_299 : memref<100000x128xf32, #tpu.memory_space<hbm>>) target(%dma_start3A_293 : memref<64x128xf32, #tpu.memory_space<vmem>>) offsets(%dma_start3A_296 : memref<64xi32, #tpu.memory_space<vmem>>) semaphore(%arg15 : memref<!tpu.dma_semaphore, #tpu.memory_space<semaphore_mem>>)
        %dma_start3A_300 = arith.constant 64 : i32
        %dma_start3A_301 = arith.constant 0 : i32
        %dma_start3A_302 = tpu.memref_slice %arg11[%dma_start3A_300, %dma_start3A_301] : memref<128x128xf32, #tpu.memory_space<vmem>> -> memref<64x128xf32, #tpu.memory_space<vmem>>
        %dma_start3A_303 = arith.constant 64 : i32
        %dma_start3A_304 = tpu.memref_slice %arg8[%add3A_272, %dma_start3A_303] : memref<64x128xi32, #tpu.memory_space<vmem>> -> memref<1x64xi32, #tpu.memory_space<vmem>>
        %dma_start3A_305 = tpu.memref_squeeze %dma_start3A_304 : memref<1x64xi32, #tpu.memory_space<vmem>> -> memref<64xi32, #tpu.memory_space<vmem>>
        %dma_start3A_306 = arith.constant 0 : i32
        %dma_start3A_307 = arith.constant 0 : i32
        %dma_start3A_308 = tpu.memref_slice %arg5[%dma_start3A_306, %dma_start3A_307] : memref<1024x128xf32, #tpu.memory_space<hbm>> -> memref<1024x128xf32, #tpu.memory_space<hbm>>
        tpu.enqueue_indirect_dma source(%dma_start3A_308 : memref<1024x128xf32, #tpu.memory_space<hbm>>) target(%dma_start3A_302 : memref<64x128xf32, #tpu.memory_space<vmem>>) offsets(%dma_start3A_305 : memref<64xi32, #tpu.memory_space<vmem>>) semaphore(%arg15 : memref<!tpu.dma_semaphore, #tpu.memory_space<semaphore_mem>>)
      } else {
      }
      %add3A_221 = arith.addi %mul3A_2, %add3A_194 : i32
      %mul3A_222 = arith.constant 128 : i32
      %mul3A_223 = arith.muli %add3A_221, %mul3A_222 : i32
      %dma_start3A_224 = arith.constant 0 : i32
      %dma_start3A_225 = tpu.memref_slice %arg6[%mul3A_223, %dma_start3A_224] : memref<524288x128xf32, #tpu.memory_space<hbm>> -> memref<128x128xf32, #tpu.memory_space<hbm>>
      %dma_start3A_226 = arith.constant 0 : i32
      %dma_start3A_227 = tpu.memref_slice %arg6[%mul3A_223, %dma_start3A_226] : memref<524288x128xf32, #tpu.memory_space<hbm>> -> memref<128x128xf32, #tpu.memory_space<hbm>>
      tpu.enqueue_dma source(%arg13 : memref<128x128xf32, #tpu.memory_space<vmem>>) target(%dma_start3A_227 : memref<128x128xf32, #tpu.memory_space<hbm>>) target_semaphore(%arg17 : memref<!tpu.dma_semaphore, #tpu.memory_space<semaphore_mem>>)
      %mul3A_228 = arith.constant 2 : i32
      %mul3A_229 = arith.muli %mul3A_228, %scan3A_188 : i32
      %add3A_230 = arith.constant 1 : i32
      %add3A_231 = arith.addi %mul3A_229, %add3A_230 : i32
      %add3A_232 = arith.constant 64 : i32
      %add3A_233 = arith.addi %add3A_232, %add3A_231 : i32
      %dma_wait3A_234 = arith.constant 0 : i32
      %dma_wait3A_235 = arith.constant 0 : i32
      %dma_wait3A_236 = tpu.memref_slice %arg4[%dma_wait3A_234, %dma_wait3A_235] : memref<100000x128xf32, #tpu.memory_space<hbm>> -> memref<128x128xf32, #tpu.memory_space<hbm>>
      %dma_wait3A_237 = arith.constant 0 : i32
      %dma_wait3A_238 = arith.constant 0 : i32
      %dma_wait3A_239 = tpu.memref_slice %arg4[%dma_wait3A_237, %dma_wait3A_238] : memref<100000x128xf32, #tpu.memory_space<hbm>> -> memref<128x128xf32, #tpu.memory_space<hbm>>
      tpu.wait_dma2 semaphore(%arg16 : memref<!tpu.dma_semaphore, #tpu.memory_space<semaphore_mem>>) src(%dma_wait3A_239 : memref<128x128xf32, #tpu.memory_space<hbm>>) dst(%arg10 : memref<128x128xf32, #tpu.memory_space<vmem>>)
      %dma_wait3A_240 = arith.constant 0 : i32
      %dma_wait3A_241 = arith.constant 0 : i32
      %dma_wait3A_242 = tpu.memref_slice %arg4[%dma_wait3A_240, %dma_wait3A_241] : memref<100000x128xf32, #tpu.memory_space<hbm>> -> memref<128x128xf32, #tpu.memory_space<hbm>>
      %dma_wait3A_243 = arith.constant 0 : i32
      %dma_wait3A_244 = arith.constant 0 : i32
      %dma_wait3A_245 = tpu.memref_slice %arg4[%dma_wait3A_243, %dma_wait3A_244] : memref<100000x128xf32, #tpu.memory_space<hbm>> -> memref<128x128xf32, #tpu.memory_space<hbm>>
      tpu.wait_dma2 semaphore(%arg16 : memref<!tpu.dma_semaphore, #tpu.memory_space<semaphore_mem>>) src(%dma_wait3A_245 : memref<128x128xf32, #tpu.memory_space<hbm>>) dst(%arg12 : memref<128x128xf32, #tpu.memory_space<vmem>>)
      %ge3A_246 = arith.constant 2 : i32
      %ge3A_247 = arith.cmpi sge, %add3A_233, %ge3A_246 : i32
      %convert_element_type3A_248 = arith.extui %ge3A_247 : i1 to i32
      %cond3A_249 = arith.constant 0 : i32
      %cond3A_250 = arith.cmpi ne, %convert_element_type3A_248, %cond3A_249 : i32
      scf.if %cond3A_250 {
        %dma_wait3A_271 = arith.constant 0 : i32
        %dma_wait3A_272 = arith.constant 0 : i32
        %dma_wait3A_273 = tpu.memref_slice %arg6[%dma_wait3A_271, %dma_wait3A_272] : memref<524288x128xf32, #tpu.memory_space<hbm>> -> memref<128x128xf32, #tpu.memory_space<hbm>>
        %dma_wait3A_274 = arith.constant 0 : i32
        %dma_wait3A_275 = arith.constant 0 : i32
        %dma_wait3A_276 = tpu.memref_slice %arg6[%dma_wait3A_274, %dma_wait3A_275] : memref<524288x128xf32, #tpu.memory_space<hbm>> -> memref<128x128xf32, #tpu.memory_space<hbm>>
        tpu.wait_dma2 semaphore(%arg18 : memref<!tpu.dma_semaphore, #tpu.memory_space<semaphore_mem>>) src(%arg14 : memref<128x128xf32, #tpu.memory_space<vmem>>) dst(%dma_wait3A_276 : memref<128x128xf32, #tpu.memory_space<hbm>>)
      } else {
      }
      %scan3A_251 = arith.constant 0 : i32
      %scan3A_252 = arith.constant 0 : i32
      %scan3A_253 = arith.constant 128 : i32
      %scan3A_254 = arith.addi %scan3A_252, %scan3A_253 : i32
      %scan3A_255 = arith.constant 1 : i32
      scf.for %scan3A_271 = %scan3A_252 to %scan3A_254 step %scan3A_255  : i32 {
        %get3A = arith.index_cast %scan3A_271 : i32 to index
        %get3A_272 = arith.constant 0 : index
        %get3A_273 = tpu.vector_load %arg10[%get3A, %get3A_272] {strides = array<i32>} : memref<128x128xf32, #tpu.memory_space<vmem>>, vector<1x16xf32>,
        %get3A_274 = vector.shape_cast %get3A_273 : vector<1x16xf32> to vector<16xf32>
        %get3A_275 = arith.index_cast %scan3A_271 : i32 to index
        %get3A_276 = arith.constant 0 : index
        %get3A_277 = tpu.vector_load %arg12[%get3A_275, %get3A_276] {strides = array<i32>} : memref<128x128xf32, #tpu.memory_space<vmem>>, vector<1x16xf32>,
        %get3A_278 = vector.shape_cast %get3A_277 : vector<1x16xf32> to vector<16xf32>
        %add3A_279 = arith.addf %get3A_274, %get3A_278 : vector<16xf32>
        %swap3A = arith.index_cast %scan3A_271 : i32 to index
        %swap3A_280 = arith.constant 0 : index
        %swap3A_281 = tpu.vector_load %arg14[%swap3A, %swap3A_280] {strides = array<i32>} : memref<128x128xf32, #tpu.memory_space<vmem>>, vector<1x16xf32>,
        %swap3A_282 = vector.shape_cast %swap3A_281 : vector<1x16xf32> to vector<16xf32>
        %swap3A_283 = vector.shape_cast %add3A_279 : vector<16xf32> to vector<1x16xf32>
        tpu.vector_store %arg14[%swap3A, %swap3A_280], %swap3A_283 {strides = array<i32>} : memref<128x128xf32, #tpu.memory_space<vmem>>, vector<1x16xf32>,
        %get3A_284 = arith.index_cast %scan3A_271 : i32 to index
        %get3A_285 = arith.constant 16 : index
        %get3A_286 = tpu.vector_load %arg10[%get3A_284, %get3A_285] {strides = array<i32>} : memref<128x128xf32, #tpu.memory_space<vmem>>, vector<1x16xf32>,
        %get3A_287 = vector.shape_cast %get3A_286 : vector<1x16xf32> to vector<16xf32>
        %get3A_288 = arith.index_cast %scan3A_271 : i32 to index
        %get3A_289 = arith.constant 16 : index
        %get3A_290 = tpu.vector_load %arg12[%get3A_288, %get3A_289] {strides = array<i32>} : memref<128x128xf32, #tpu.memory_space<vmem>>, vector<1x16xf32>,
        %get3A_291 = vector.shape_cast %get3A_290 : vector<1x16xf32> to vector<16xf32>
        %add3A_292 = arith.addf %get3A_287, %get3A_291 : vector<16xf32>
        %swap3A_293 = arith.index_cast %scan3A_271 : i32 to index
        %swap3A_294 = arith.constant 16 : index
        %swap3A_295 = tpu.vector_load %arg14[%swap3A_293, %swap3A_294] {strides = array<i32>} : memref<128x128xf32, #tpu.memory_space<vmem>>, vector<1x16xf32>,
        %swap3A_296 = vector.shape_cast %swap3A_295 : vector<1x16xf32> to vector<16xf32>
        %swap3A_297 = vector.shape_cast %add3A_292 : vector<16xf32> to vector<1x16xf32>
        tpu.vector_store %arg14[%swap3A_293, %swap3A_294], %swap3A_297 {strides = array<i32>} : memref<128x128xf32, #tpu.memory_space<vmem>>, vector<1x16xf32>,
        %get3A_298 = arith.index_cast %scan3A_271 : i32 to index
        %get3A_299 = arith.constant 32 : index
        %get3A_300 = tpu.vector_load %arg10[%get3A_298, %get3A_299] {strides = array<i32>} : memref<128x128xf32, #tpu.memory_space<vmem>>, vector<1x16xf32>,
        %get3A_301 = vector.shape_cast %get3A_300 : vector<1x16xf32> to vector<16xf32>
        %get3A_302 = arith.index_cast %scan3A_271 : i32 to index
        %get3A_303 = arith.constant 32 : index
        %get3A_304 = tpu.vector_load %arg12[%get3A_302, %get3A_303] {strides = array<i32>} : memref<128x128xf32, #tpu.memory_space<vmem>>, vector<1x16xf32>,
        %get3A_305 = vector.shape_cast %get3A_304 : vector<1x16xf32> to vector<16xf32>
        %add3A_306 = arith.addf %get3A_301, %get3A_305 : vector<16xf32>
        %swap3A_307 = arith.index_cast %scan3A_271 : i32 to index
        %swap3A_308 = arith.constant 32 : index
        %swap3A_309 = tpu.vector_load %arg14[%swap3A_307, %swap3A_308] {strides = array<i32>} : memref<128x128xf32, #tpu.memory_space<vmem>>, vector<1x16xf32>,
        %swap3A_310 = vector.shape_cast %swap3A_309 : vector<1x16xf32> to vector<16xf32>
        %swap3A_311 = vector.shape_cast %add3A_306 : vector<16xf32> to vector<1x16xf32>
        tpu.vector_store %arg14[%swap3A_307, %swap3A_308], %swap3A_311 {strides = array<i32>} : memref<128x128xf32, #tpu.memory_space<vmem>>, vector<1x16xf32>,
        %get3A_312 = arith.index_cast %scan3A_271 : i32 to index
        %get3A_313 = arith.constant 48 : index
        %get3A_314 = tpu.vector_load %arg10[%get3A_312, %get3A_313] {strides = array<i32>} : memref<128x128xf32, #tpu.memory_space<vmem>>, vector<1x16xf32>,
        %get3A_315 = vector.shape_cast %get3A_314 : vector<1x16xf32> to vector<16xf32>
        %get3A_316 = arith.index_cast %scan3A_271 : i32 to index
        %get3A_317 = arith.constant 48 : index
        %get3A_318 = tpu.vector_load %arg12[%get3A_316, %get3A_317] {strides = array<i32>} : memref<128x128xf32, #tpu.memory_space<vmem>>, vector<1x16xf32>,
        %get3A_319 = vector.shape_cast %get3A_318 : vector<1x16xf32> to vector<16xf32>
        %add3A_320 = arith.addf %get3A_315, %get3A_319 : vector<16xf32>
        %swap3A_321 = arith.index_cast %scan3A_271 : i32 to index
        %swap3A_322 = arith.constant 48 : index
        %swap3A_323 = tpu.vector_load %arg14[%swap3A_321, %swap3A_322] {strides = array<i32>} : memref<128x128xf32, #tpu.memory_space<vmem>>, vector<1x16xf32>,
        %swap3A_324 = vector.shape_cast %swap3A_323 : vector<1x16xf32> to vector<16xf32>
        %swap3A_325 = vector.shape_cast %add3A_320 : vector<16xf32> to vector<1x16xf32>
        tpu.vector_store %arg14[%swap3A_321, %swap3A_322], %swap3A_325 {strides = array<i32>} : memref<128x128xf32, #tpu.memory_space<vmem>>, vector<1x16xf32>,
        %get3A_326 = arith.index_cast %scan3A_271 : i32 to index
        %get3A_327 = arith.constant 64 : index
        %get3A_328 = tpu.vector_load %arg10[%get3A_326, %get3A_327] {strides = array<i32>} : memref<128x128xf32, #tpu.memory_space<vmem>>, vector<1x16xf32>,
        %get3A_329 = vector.shape_cast %get3A_328 : vector<1x16xf32> to vector<16xf32>
        %get3A_330 = arith.index_cast %scan3A_271 : i32 to index
        %get3A_331 = arith.constant 64 : index
        %get3A_332 = tpu.vector_load %arg12[%get3A_330, %get3A_331] {strides = array<i32>} : memref<128x128xf32, #tpu.memory_space<vmem>>, vector<1x16xf32>,
        %get3A_333 = vector.shape_cast %get3A_332 : vector<1x16xf32> to vector<16xf32>
        %add3A_334 = arith.addf %get3A_329, %get3A_333 : vector<16xf32>
        %swap3A_335 = arith.index_cast %scan3A_271 : i32 to index
        %swap3A_336 = arith.constant 64 : index
        %swap3A_337 = tpu.vector_load %arg14[%swap3A_335, %swap3A_336] {strides = array<i32>} : memref<128x128xf32, #tpu.memory_space<vmem>>, vector<1x16xf32>,
        %swap3A_338 = vector.shape_cast %swap3A_337 : vector<1x16xf32> to vector<16xf32>
        %swap3A_339 = vector.shape_cast %add3A_334 : vector<16xf32> to vector<1x16xf32>
        tpu.vector_store %arg14[%swap3A_335, %swap3A_336], %swap3A_339 {strides = array<i32>} : memref<128x128xf32, #tpu.memory_space<vmem>>, vector<1x16xf32>,
        %get3A_340 = arith.index_cast %scan3A_271 : i32 to index
        %get3A_341 = arith.constant 80 : index
        %get3A_342 = tpu.vector_load %arg10[%get3A_340, %get3A_341] {strides = array<i32>} : memref<128x128xf32, #tpu.memory_space<vmem>>, vector<1x16xf32>,
        %get3A_343 = vector.shape_cast %get3A_342 : vector<1x16xf32> to vector<16xf32>
        %get3A_344 = arith.index_cast %scan3A_271 : i32 to index
        %get3A_345 = arith.constant 80 : index
        %get3A_346 = tpu.vector_load %arg12[%get3A_344, %get3A_345] {strides = array<i32>} : memref<128x128xf32, #tpu.memory_space<vmem>>, vector<1x16xf32>,
        %get3A_347 = vector.shape_cast %get3A_346 : vector<1x16xf32> to vector<16xf32>
        %add3A_348 = arith.addf %get3A_343, %get3A_347 : vector<16xf32>
        %swap3A_349 = arith.index_cast %scan3A_271 : i32 to index
        %swap3A_350 = arith.constant 80 : index
        %swap3A_351 = tpu.vector_load %arg14[%swap3A_349, %swap3A_350] {strides = array<i32>} : memref<128x128xf32, #tpu.memory_space<vmem>>, vector<1x16xf32>,
        %swap3A_352 = vector.shape_cast %swap3A_351 : vector<1x16xf32> to vector<16xf32>
        %swap3A_353 = vector.shape_cast %add3A_348 : vector<16xf32> to vector<1x16xf32>
        tpu.vector_store %arg14[%swap3A_349, %swap3A_350], %swap3A_353 {strides = array<i32>} : memref<128x128xf32, #tpu.memory_space<vmem>>, vector<1x16xf32>,
        %get3A_354 = arith.index_cast %scan3A_271 : i32 to index
        %get3A_355 = arith.constant 96 : index
        %get3A_356 = tpu.vector_load %arg10[%get3A_354, %get3A_355] {strides = array<i32>} : memref<128x128xf32, #tpu.memory_space<vmem>>, vector<1x16xf32>,
        %get3A_357 = vector.shape_cast %get3A_356 : vector<1x16xf32> to vector<16xf32>
        %get3A_358 = arith.index_cast %scan3A_271 : i32 to index
        %get3A_359 = arith.constant 96 : index
        %get3A_360 = tpu.vector_load %arg12[%get3A_358, %get3A_359] {strides = array<i32>} : memref<128x128xf32, #tpu.memory_space<vmem>>, vector<1x16xf32>,
        %get3A_361 = vector.shape_cast %get3A_360 : vector<1x16xf32> to vector<16xf32>
        %add3A_362 = arith.addf %get3A_357, %get3A_361 : vector<16xf32>
        %swap3A_363 = arith.index_cast %scan3A_271 : i32 to index
        %swap3A_364 = arith.constant 96 : index
        %swap3A_365 = tpu.vector_load %arg14[%swap3A_363, %swap3A_364] {strides = array<i32>} : memref<128x128xf32, #tpu.memory_space<vmem>>, vector<1x16xf32>,
        %swap3A_366 = vector.shape_cast %swap3A_365 : vector<1x16xf32> to vector<16xf32>
        %swap3A_367 = vector.shape_cast %add3A_362 : vector<16xf32> to vector<1x16xf32>
        tpu.vector_store %arg14[%swap3A_363, %swap3A_364], %swap3A_367 {strides = array<i32>} : memref<128x128xf32, #tpu.memory_space<vmem>>, vector<1x16xf32>,
        %get3A_368 = arith.index_cast %scan3A_271 : i32 to index
        %get3A_369 = arith.constant 112 : index
        %get3A_370 = tpu.vector_load %arg10[%get3A_368, %get3A_369] {strides = array<i32>} : memref<128x128xf32, #tpu.memory_space<vmem>>, vector<1x16xf32>,
        %get3A_371 = vector.shape_cast %get3A_370 : vector<1x16xf32> to vector<16xf32>
        %get3A_372 = arith.index_cast %scan3A_271 : i32 to index
        %get3A_373 = arith.constant 112 : index
        %get3A_374 = tpu.vector_load %arg12[%get3A_372, %get3A_373] {strides = array<i32>} : memref<128x128xf32, #tpu.memory_space<vmem>>, vector<1x16xf32>,
        %get3A_375 = vector.shape_cast %get3A_374 : vector<1x16xf32> to vector<16xf32>
        %add3A_376 = arith.addf %get3A_371, %get3A_375 : vector<16xf32>
        %swap3A_377 = arith.index_cast %scan3A_271 : i32 to index
        %swap3A_378 = arith.constant 112 : index
        %swap3A_379 = tpu.vector_load %arg14[%swap3A_377, %swap3A_378] {strides = array<i32>} : memref<128x128xf32, #tpu.memory_space<vmem>>, vector<1x16xf32>,
        %swap3A_380 = vector.shape_cast %swap3A_379 : vector<1x16xf32> to vector<16xf32>
        %swap3A_381 = vector.shape_cast %add3A_376 : vector<16xf32> to vector<1x16xf32>
        tpu.vector_store %arg14[%swap3A_377, %swap3A_378], %swap3A_381 {strides = array<i32>} : memref<128x128xf32, #tpu.memory_space<vmem>>, vector<1x16xf32>,
      }
      %scan3A_256 = arith.constant 128 : i32
      %add3A_257 = arith.constant 2 : i32
      %add3A_258 = arith.addi %add3A_231, %add3A_257 : i32
      %lt3A_259 = arith.constant 64 : i32
      %lt3A_260 = arith.cmpi slt, %add3A_258, %lt3A_259 : i32
      %convert_element_type3A_261 = arith.extui %lt3A_260 : i1 to i32
      %cond3A_262 = arith.constant 0 : i32
      %cond3A_263 = arith.cmpi ne, %convert_element_type3A_261, %cond3A_262 : i32
      scf.if %cond3A_263 {
        %add3A_271 = arith.constant 2 : i32
        %add3A_272 = arith.addi %add3A_231, %add3A_271 : i32
        %dma_start3A_273 = arith.constant 0 : i32
        %dma_start3A_274 = arith.constant 0 : i32
        %dma_start3A_275 = tpu.memref_slice %arg10[%dma_start3A_273, %dma_start3A_274] : memref<128x128xf32, #tpu.memory_space<vmem>> -> memref<64x128xf32, #tpu.memory_space<vmem>>
        %dma_start3A_276 = arith.constant 0 : i32
        %dma_start3A_277 = tpu.memref_slice %arg7[%add3A_272, %dma_start3A_276] : memref<64x128xi32, #tpu.memory_space<vmem>> -> memref<1x64xi32, #tpu.memory_space<vmem>>
        %dma_start3A_278 = tpu.memref_squeeze %dma_start3A_277 : memref<1x64xi32, #tpu.memory_space<vmem>> -> memref<64xi32, #tpu.memory_space<vmem>>
        %dma_start3A_279 = arith.constant 0 : i32
        %dma_start3A_280 = arith.constant 0 : i32
        %dma_start3A_281 = tpu.memref_slice %arg4[%dma_start3A_279, %dma_start3A_280] : memref<100000x128xf32, #tpu.memory_space<hbm>> -> memref<100000x128xf32, #tpu.memory_space<hbm>>
        tpu.enqueue_indirect_dma source(%dma_start3A_281 : memref<100000x128xf32, #tpu.memory_space<hbm>>) target(%dma_start3A_275 : memref<64x128xf32, #tpu.memory_space<vmem>>) offsets(%dma_start3A_278 : memref<64xi32, #tpu.memory_space<vmem>>) semaphore(%arg16 : memref<!tpu.dma_semaphore, #tpu.memory_space<semaphore_mem>>)
        %dma_start3A_282 = arith.constant 0 : i32
        %dma_start3A_283 = arith.constant 0 : i32
        %dma_start3A_284 = tpu.memref_slice %arg12[%dma_start3A_282, %dma_start3A_283] : memref<128x128xf32, #tpu.memory_space<vmem>> -> memref<64x128xf32, #tpu.memory_space<vmem>>
        %dma_start3A_285 = arith.constant 0 : i32
        %dma_start3A_286 = tpu.memref_slice %arg8[%add3A_272, %dma_start3A_285] : memref<64x128xi32, #tpu.memory_space<vmem>> -> memref<1x64xi32, #tpu.memory_space<vmem>>
        %dma_start3A_287 = tpu.memref_squeeze %dma_start3A_286 : memref<1x64xi32, #tpu.memory_space<vmem>> -> memref<64xi32, #tpu.memory_space<vmem>>
        %dma_start3A_288 = arith.constant 0 : i32
        %dma_start3A_289 = arith.constant 0 : i32
        %dma_start3A_290 = tpu.memref_slice %arg5[%dma_start3A_288, %dma_start3A_289] : memref<1024x128xf32, #tpu.memory_space<hbm>> -> memref<1024x128xf32, #tpu.memory_space<hbm>>
        tpu.enqueue_indirect_dma source(%dma_start3A_290 : memref<1024x128xf32, #tpu.memory_space<hbm>>) target(%dma_start3A_284 : memref<64x128xf32, #tpu.memory_space<vmem>>) offsets(%dma_start3A_287 : memref<64xi32, #tpu.memory_space<vmem>>) semaphore(%arg16 : memref<!tpu.dma_semaphore, #tpu.memory_space<semaphore_mem>>)
        %dma_start3A_291 = arith.constant 64 : i32
        %dma_start3A_292 = arith.constant 0 : i32
        %dma_start3A_293 = tpu.memref_slice %arg10[%dma_start3A_291, %dma_start3A_292] : memref<128x128xf32, #tpu.memory_space<vmem>> -> memref<64x128xf32, #tpu.memory_space<vmem>>
        %dma_start3A_294 = arith.constant 64 : i32
        %dma_start3A_295 = tpu.memref_slice %arg7[%add3A_272, %dma_start3A_294] : memref<64x128xi32, #tpu.memory_space<vmem>> -> memref<1x64xi32, #tpu.memory_space<vmem>>
        %dma_start3A_296 = tpu.memref_squeeze %dma_start3A_295 : memref<1x64xi32, #tpu.memory_space<vmem>> -> memref<64xi32, #tpu.memory_space<vmem>>
        %dma_start3A_297 = arith.constant 0 : i32
        %dma_start3A_298 = arith.constant 0 : i32
        %dma_start3A_299 = tpu.memref_slice %arg4[%dma_start3A_297, %dma_start3A_298] : memref<100000x128xf32, #tpu.memory_space<hbm>> -> memref<100000x128xf32, #tpu.memory_space<hbm>>
        tpu.enqueue_indirect_dma source(%dma_start3A_299 : memref<100000x128xf32, #tpu.memory_space<hbm>>) target(%dma_start3A_293 : memref<64x128xf32, #tpu.memory_space<vmem>>) offsets(%dma_start3A_296 : memref<64xi32, #tpu.memory_space<vmem>>) semaphore(%arg16 : memref<!tpu.dma_semaphore, #tpu.memory_space<semaphore_mem>>)
        %dma_start3A_300 = arith.constant 64 : i32
        %dma_start3A_301 = arith.constant 0 : i32
        %dma_start3A_302 = tpu.memref_slice %arg12[%dma_start3A_300, %dma_start3A_301] : memref<128x128xf32, #tpu.memory_space<vmem>> -> memref<64x128xf32, #tpu.memory_space<vmem>>
        %dma_start3A_303 = arith.constant 64 : i32
        %dma_start3A_304 = tpu.memref_slice %arg8[%add3A_272, %dma_start3A_303] : memref<64x128xi32, #tpu.memory_space<vmem>> -> memref<1x64xi32, #tpu.memory_space<vmem>>
        %dma_start3A_305 = tpu.memref_squeeze %dma_start3A_304 : memref<1x64xi32, #tpu.memory_space<vmem>> -> memref<64xi32, #tpu.memory_space<vmem>>
        %dma_start3A_306 = arith.constant 0 : i32
        %dma_start3A_307 = arith.constant 0 : i32
        %dma_start3A_308 = tpu.memref_slice %arg5[%dma_start3A_306, %dma_start3A_307] : memref<1024x128xf32, #tpu.memory_space<hbm>> -> memref<1024x128xf32, #tpu.memory_space<hbm>>
        tpu.enqueue_indirect_dma source(%dma_start3A_308 : memref<1024x128xf32, #tpu.memory_space<hbm>>) target(%dma_start3A_302 : memref<64x128xf32, #tpu.memory_space<vmem>>) offsets(%dma_start3A_305 : memref<64xi32, #tpu.memory_space<vmem>>) semaphore(%arg16 : memref<!tpu.dma_semaphore, #tpu.memory_space<semaphore_mem>>)
      } else {
      }
      %add3A_264 = arith.addi %mul3A_2, %add3A_233 : i32
      %mul3A_265 = arith.constant 128 : i32
      %mul3A_266 = arith.muli %add3A_264, %mul3A_265 : i32
      %dma_start3A_267 = arith.constant 0 : i32
      %dma_start3A_268 = tpu.memref_slice %arg6[%mul3A_266, %dma_start3A_267] : memref<524288x128xf32, #tpu.memory_space<hbm>> -> memref<128x128xf32, #tpu.memory_space<hbm>>
      %dma_start3A_269 = arith.constant 0 : i32
      %dma_start3A_270 = tpu.memref_slice %arg6[%mul3A_266, %dma_start3A_269] : memref<524288x128xf32, #tpu.memory_space<hbm>> -> memref<128x128xf32, #tpu.memory_space<hbm>>
      tpu.enqueue_dma source(%arg14 : memref<128x128xf32, #tpu.memory_space<vmem>>) target(%dma_start3A_270 : memref<128x128xf32, #tpu.memory_space<hbm>>) target_semaphore(%arg18 : memref<!tpu.dma_semaphore, #tpu.memory_space<semaphore_mem>>)
    }
    %scan3A_176 = arith.constant 32 : i32
    %dma_wait3A = arith.constant 0 : i32
    %dma_wait3A_177 = arith.constant 0 : i32
    %dma_wait3A_178 = tpu.memref_slice %arg6[%dma_wait3A, %dma_wait3A_177] : memref<524288x128xf32, #tpu.memory_space<hbm>> -> memref<128x128xf32, #tpu.memory_space<hbm>>
    %dma_wait3A_179 = arith.constant 0 : i32
    %dma_wait3A_180 = arith.constant 0 : i32
    %dma_wait3A_181 = tpu.memref_slice %arg6[%dma_wait3A_179, %dma_wait3A_180] : memref<524288x128xf32, #tpu.memory_space<hbm>> -> memref<128x128xf32, #tpu.memory_space<hbm>>
    tpu.wait_dma2 semaphore(%arg17 : memref<!tpu.dma_semaphore, #tpu.memory_space<semaphore_mem>>) src(%arg13 : memref<128x128xf32, #tpu.memory_space<vmem>>) dst(%dma_wait3A_181 : memref<128x128xf32, #tpu.memory_space<hbm>>)
    %dma_wait3A_182 = arith.constant 0 : i32
    %dma_wait3A_183 = arith.constant 0 : i32
    %dma_wait3A_184 = tpu.memref_slice %arg6[%dma_wait3A_182, %dma_wait3A_183] : memref<524288x128xf32, #tpu.memory_space<hbm>> -> memref<128x128xf32, #tpu.memory_space<hbm>>
    %dma_wait3A_185 = arith.constant 0 : i32
    %dma_wait3A_186 = arith.constant 0 : i32
    %dma_wait3A_187 = tpu.memref_slice %arg6[%dma_wait3A_185, %dma_wait3A_186] : memref<524288x128xf32, #tpu.memory_space<hbm>> -> memref<128x128xf32, #tpu.memory_space<hbm>>
    tpu.wait_dma2 semaphore(%arg18 : memref<!tpu.dma_semaphore, #tpu.memory_space<semaphore_mem>>) src(%arg14 : memref<128x128xf32, #tpu.memory_space<vmem>>) dst(%dma_wait3A_187 : memref<128x128xf32, #tpu.memory_space<hbm>>)
    return
  }
}

module attributes {stable_mosaic.version = 14 : i64} {
  func.func @body(%arg0: memref<512x128xf32, #tpu.memory_space<vmem>>, %arg1: memref<2x128xf32, #tpu.memory_space<vmem>>, %arg2: memref<4096x128xi32, #tpu.memory_space<vmem>>, %arg3: memref<4096x128xi32, #tpu.memory_space<vmem>>, %arg4: memref<2x512x128xf32, #tpu.memory_space<vmem>>, %arg5: memref<4096x128xi32, #tpu.memory_space<vmem>>) attributes {dimension_semantics = [], scalar_prefetch = 0 : i64, scratch_operands = 0 : i64, tpu.core_type = #tpu.core_type<tc>} {
    %get3A = arith.constant 0 : index
    %get3A_0 = arith.constant 0 : index
    %get3A_1 = vector.load %arg1[%get3A, %get3A_0] : memref<2x128xf32, #tpu.memory_space<vmem>>, vector<2x128xf32>
    %broadcast_in_dim3A = vector.shape_cast %get3A_1 : vector<2x128xf32> to vector<2x1x128xf32>
    %get3A_2 = arith.constant 0 : index
    %get3A_3 = arith.constant 0 : index
    %get3A_4 = vector.load %arg0[%get3A_2, %get3A_3] : memref<512x128xf32, #tpu.memory_space<vmem>>, vector<512x128xf32>
    %broadcast_in_dim3A_5 = vector.shape_cast %get3A_4 : vector<512x128xf32> to vector<1x512x128xf32>
    %add3A = vector.broadcast %broadcast_in_dim3A : vector<2x1x128xf32> to vector<2x512x128xf32>
    %add3A_6 = vector.broadcast %broadcast_in_dim3A_5 : vector<1x512x128xf32> to vector<2x512x128xf32>
    %add3A_7 = arith.addf %add3A, %add3A_6 : vector<2x512x128xf32>
    %swap3A = arith.constant 0 : index
    %swap3A_8 = arith.constant 0 : index
    %swap3A_9 = arith.constant 0 : index
    %swap3A_10 = vector.load %arg4[%swap3A, %swap3A_8, %swap3A_9] : memref<2x512x128xf32, #tpu.memory_space<vmem>>, vector<2x512x128xf32>
    tpu.vector_store %arg4[%swap3A, %swap3A_8, %swap3A_9], %add3A_7 {strides = array<i32>} : memref<2x512x128xf32, #tpu.memory_space<vmem>>, vector<2x512x128xf32>,
    %get3A_11 = arith.constant 0 : index
    %get3A_12 = arith.constant 0 : index
    %get3A_13 = vector.load %arg3[%get3A_11, %get3A_12] : memref<4096x128xi32, #tpu.memory_space<vmem>>, vector<4096x128xi32>
    %mul3A = arith.constant 512 : i32
    %mul3A_14 = vector.broadcast %mul3A : i32 to vector<4096x128xi32>
    %mul3A_15 = arith.muli %get3A_13, %mul3A_14 : vector<4096x128xi32>
    %get3A_16 = arith.constant 0 : index
    %get3A_17 = arith.constant 0 : index
    %get3A_18 = vector.load %arg2[%get3A_16, %get3A_17] : memref<4096x128xi32, #tpu.memory_space<vmem>>, vector<4096x128xi32>
    %add3A_19 = arith.addi %mul3A_15, %get3A_18 : vector<4096x128xi32>
    %swap3A_20 = arith.constant 0 : index
    %swap3A_21 = arith.constant 0 : index
    %swap3A_22 = vector.load %arg5[%swap3A_20, %swap3A_21] : memref<4096x128xi32, #tpu.memory_space<vmem>>, vector<4096x128xi32>
    tpu.vector_store %arg5[%swap3A_20, %swap3A_21], %add3A_19 {strides = array<i32>} : memref<4096x128xi32, #tpu.memory_space<vmem>>, vector<4096x128xi32>,
    return
  }
}

</mosaic_0001>

<sc_bundles>
// kernel: kernel.4.cloned.1.call-start
scs
__scs_entry_jumppad:
0x0: {  	(pc) =	sbr.rel $0x88, $3  }
0x1: {  	(tag) =	ssettag $0x0;
	lr =	simm.s32 $0x1  }
0x2: {  	[smem:$0x3F9B] =	sst lr;
	_ =	strace $0xD0000000  }
0x3: {  	_ = 	snop  }
0x4: {  	_ = 	snop  }
0x5: {  	_ = 	snop  }
0x6: {  	_ = 	snop  }
0x7: {  	_ = 	snop  }
__scs_overlays_trampoline_lowered:
0x8: {  	[smem:$0x3FAA] =	sst s0  }
0x9: {  	[smem:$0x3FAB] =	sst s1  }
0xa: {  	[smem:$0x3FAC] =	sst s2  }
0xb: {  	[smem:$0x3FAD] =	sst s3  }
0xc: {  	[smem:$0x3FAE] =	sst s4  }
0xd: {  	[smem:$0x3FAF] =	sst s5  }
0xe: {  	[smem:$0x3FB0] =	sst s6  }
0xf: {  	[smem:$0x3FB1] =	sst s7  }
0x10: {  	[smem:$0x3FB2] =	sst s8  }
0x11: {  	[smem:$0x3FB3] =	sst s9;
	s0 =	simm.s32 @!p0 $0x0  }
0x12: {  	s1 =	sld [smem:$0x3F99];
	s0 =	simm.s32 @p0 $0x1  }
0x13: {  	[smem:$0x3FB4] =	sst s0;
	s0 =	simm.s32 @!p1 $0x0  }
0x14: {  	s2 =	sld [smem:$0x3F98];
	s0 =	simm.s32 @p1 $0x1  }
0x15: {  	[smem:$0x3FB5] =	sst s0;
	s0 =	simm.s32 @!p2 $0x0  }
0x16: {  	s3 =	sld [smem:$0x3FDB];
	s0 =	simm.s32 @p2 $0x1  }
0x17: {  	s4 =	simm.s32 $0x1BF5;
	[smem:$0x3FB7] =	sst s0  }
0x18: {  	s0 =	sld [smem:$0x3F9A];
	_ =	swait.ge [sflag:s4], $0x0  }
0x19: {  	s7 =	sld [smem:$0x3F9B]  }
0x1a: {  	s8 =	sadd.s32 $0xFFFFE003, lr  }
0x1b: {  	s9 =	sadd.s32 $0xFFFFFEF7, lr;
	s5 =	simm.s32 $0xFFFFFFFF;
	p2 =	slt.u32 s8, $0xFFFFF086  }
0x1c: {  	p1 =	slt.u32 s9, $0xF7A;
	s5 =	simm.s32 @!p2 $0x0  }
0x1d: {  	s5 =	simm.s32 @p1 $0x1;
	p0 =	seq.s32 s7, s2  }
0x1e: {  	s7 =	smul.u32 @!p0 $0xF7A, s2;
	p2 =	seq.s32 @!p0 s5, $0x0  }
0x1f: {  	s9 =	smul.u32 $0xF7A, s1;
	s8 =	simm.s32 @!p0 $0x1BF5;
	p2 =	por !p2, p0  }
0x20: {  	[sflag:s8] =	ssyncset.s32 @!p0 $0xFFFFF086;
	s6 =	sadd.s32 @!p0 s3, s7;
	s7 =	simm.s32 @!p0 $0x108  }
0x21: {  	s3 =	sadd.s32 s3, s9;
	s6 =	sadd.s32 @!p0 $0x88, s6;
	s7 =	simm.s32 @p2 $0x1082  }
0x22: {  	[simem:s7], [sflag:s8] =	dma.local @!p0 [hbm:s6], $0xF7A  }
0x23: {  	s9 =	sor.u32 $0xD0000000, s2;
	s6 =	simm.s32 $0x108;
	_ =	swait.ge @!p0 [sflag:s8], $0x0  }
0x24: {  	s3 =	sadd.s32 $0x88, s3;
	s6 =	simm.s32 @!p1 $0x1082;
	[sflag:s4] =	ssyncset.s32 $0xFFFFF086  }
0x25: {  	[simem:s6], [sflag:s4] =	dma.local [hbm:s3], $0xF7A  }
0x26: {  	[smem:$0x3F9B] =	sst s1;
	(tag) =	ssettag s2;
	_ =	strace s9  }
0x27: {  	s1 =	sld [smem:$0x3FAB]  }
0x28: {  	s2 =	sld [smem:$0x3FAC]  }
0x29: {  	s4 =	sld [smem:$0x3FAE]  }
0x2a: {  	p0 =	seq.s32 s5, $0x0;
	s5 =	sld [smem:$0x3FAF]  }
0x2b: {  	s6 =	sld [smem:$0x3FB0]  }
0x2c: {  	s7 =	sld [smem:$0x3FB1]  }
0x2d: {  	s3 =	simm.s32 $0x108;
	s8 =	sld [smem:$0x3FB2]  }
0x2e: {  	s3 =	simm.s32 @!p0 $0x1082;
	s9 =	sld [smem:$0x3FB3]  }
0x2f: {  	lr =	sadd.s32 s0, s3;
	s0 =	sld [smem:$0x3FAA]  }
0x30: {  	s3 =	sld [smem:$0x3FAD]  }
0x31: {  	[smem:$0x3FB6] =	sst s10  }
0x32: {  	s10 =	sld [smem:$0x3FB4];
	_ =	sdelay $0x3  }
0x33: {  	p0 =	seq.s32 s10, $0x1;
	s10 =	sld [smem:$0x3FB6];
	_ =	sdelay $0x3  }
0x34: {  	[smem:$0x3FB6] =	sst s10  }
0x35: {  	s10 =	sld [smem:$0x3FB5];
	_ =	sdelay $0x3  }
0x36: {  	p1 =	seq.s32 s10, $0x1;
	s10 =	sld [smem:$0x3FB6];
	_ =	sdelay $0x3  }
0x37: {  	[smem:$0x3FB6] =	sst s10  }
0x38: {  	s10 =	sld [smem:$0x3FB7]  }
0x39: {  	_ = 	snop;
	(pc) =	sbr.ind lr, $3  }
0x3a: {  	_ = 	snop  }
0x3b: {  	_ = 	snop  }
0x3c: {  	p2 =	seq.s32 s10, $0x1;
	s10 =	sld [smem:$0x3FB6]  }
0x3d: {  	_ =	shalt  }
0x3e: {  	_ =	shalt  }
0x3f: {  	_ =	shalt  }
0x40: {  	_ =	shalt  }
0x41: {  	_ =	shalt  }
0x42: {  	_ =	shalt  }
0x43: {  	_ =	shalt  }
0x44: {  	_ =	shalt  }
0x45: {  	_ =	shalt  }
0x46: {  	_ =	shalt  }
0x47: {  	_ =	shalt  }
0x48: {  	_ =	shalt  }
0x49: {  	_ =	shalt  }
0x4a: {  	_ =	shalt  }
0x4b: {  	_ =	shalt  }
0x4c: {  	_ =	shalt  }
0x4d: {  	_ =	shalt  }
0x4e: {  	_ =	shalt  }
0x4f: {  	_ =	shalt  }
0x50: {  	_ =	shalt  }
0x51: {  	_ =	shalt  }
0x52: {  	_ =	shalt  }
0x53: {  	_ =	shalt  }
0x54: {  	_ =	shalt  }
0x55: {  	_ =	shalt  }
0x56: {  	_ =	shalt  }
0x57: {  	_ =	shalt  }
0x58: {  	_ =	shalt  }
0x59: {  	_ =	shalt  }
0x5a: {  	_ =	shalt  }
0x5b: {  	_ =	shalt  }
0x5c: {  	_ =	shalt  }
0x5d: {  	_ =	shalt  }
0x5e: {  	_ =	shalt  }
0x5f: {  	_ =	shalt  }
0x60: {  	_ =	shalt  }
0x61: {  	_ =	shalt  }
0x62: {  	_ =	shalt  }
0x63: {  	_ =	shalt  }
0x64: {  	_ =	shalt  }
0x65: {  	_ =	shalt  }
0x66: {  	_ =	shalt  }
0x67: {  	_ =	shalt  }
0x68: {  	_ =	shalt  }
0x69: {  	_ =	shalt  }
0x6a: {  	_ =	shalt  }
0x6b: {  	_ =	shalt  }
0x6c: {  	_ =	shalt  }
0x6d: {  	_ =	shalt  }
0x6e: {  	_ =	shalt  }
0x6f: {  	_ =	shalt  }
0x70: {  	_ =	shalt  }
0x71: {  	_ =	shalt  }
0x72: {  	_ =	shalt  }
0x73: {  	_ =	shalt  }
0x74: {  	_ =	shalt  }
0x75: {  	_ =	shalt  }
0x76: {  	_ =	shalt  }
0x77: {  	_ =	shalt  }
0x78: {  	_ =	shalt  }
0x79: {  	_ =	shalt  }
0x7a: {  	_ =	shalt  }
0x7b: {  	_ =	shalt  }
0x7c: {  	_ =	shalt  }
0x7d: {  	_ =	shalt  }
0x7e: {  	_ =	shalt  }
0x7f: {  	_ =	shalt  }
0x80: {  	_ =	shalt  }
0x81: {  	_ =	shalt  }
0x82: {  	_ =	shalt  }
0x83: {  	_ =	shalt  }
0x84: {  	_ =	shalt  }
0x85: {  	_ =	shalt  }
0x86: {  	_ =	shalt  }
0x87: {  	_ =	shalt  }
.Lfunc_end0:
.L_simem_size_0:
called_computation_lowered:
.L_overlay_start_0:
0x88: {  	s2 =	sld [smem:$0x3FD9]  }
0x89: {  	s3 =	sld [smem:$0x3FFE];
	_ =	sdelay $0x1  }
0x8a: {  	s1 =	srdreg.scid  }
0x8b: {  	s0 =	sand.u32 $0x1, s1  }
0x8c: {  	s17 =	sshll.u32 s0, $0xA;
	s2 =	sadd.s32 s3, s2  }
0x8d: {  	s2 =	sadd.s32 s2, s17  }
0x8e: {  	[smem:$0x3FC2] =	sst s2  }
0x8f: {  	_ = 	snop  }
0x90: {  	s2 =	sld [smem:$0x3FC6]  }
0x91: {  	s18 =	sld [smem:$0x3FD0];
	(tm) =	ssettm $0x1  }
0x92: {  	s4 =	sld [smem:$0x3FFB];
	_ =	sdelay $0x3  }
0x93: {  	_ =	strace s4  }
0x94: {  	s4 =	sld [smem:$0x3FFC];
	_ =	sdelay $0x3  }
0x95: {  	_ =	strace s4  }
0x96: {  	s4 =	sld [smem:$0x3FFD];
	_ =	sdelay $0x3  }
0x97: {  	_ =	strace s4  }
0x98: {  	_ =	strace $0x8FFFFFFF  }
0x99: {  	s19 =	sld [smem:$0x3FDB];
	_ =	sdelay $0x1  }
0x9a: {  	s5 =	simm.s32 $_scs_section_size  }
0x9b: {  	s6 =	simm.s32 $_size__tile_overlayer_lowered;
	s7 =	simm.s32 $_tile_overlayer_lowered  }
0x9c: {  	s22 =	simm.s32 $0x1BFF;
	s21 =	sshll.u32 s7, $0x1;
	s4 =	sadd.s32 s5, s19  }
0x9d: {  	s8 =	simm.s32 $0x0;
	s20 =	sshll.u32 s6, $0x1;
	s6 =	sadd.s32 s21, s4  }
0x9e: {  	[timem:s8], [sflag:s22] =	dma.local [hbm:s6], s20  }
0x9f: {  	_ =	swait.ge [sflag:s22], s20  }
0xa0: {  	s5 =	ssub.s32 $0x0, s20;
	[sflag:s22] =	ssyncset.done $0x0  }
0xa1: {  	[sflag:s22] =	ssyncadd.s32 s5;
	_ =	sdelay $0x1  }
0xa2: {  	s23 =	simm.s32 $0x1B8B  }
0xa3: {  	_ =	swait.ge [sflag:s23], $0x1  }
0xa4: {  	[sflag:s23] =	ssyncset.done $0x0  }
0xa5: {  	s25 =	simm.s32 $0x1B8E;
	s24 =	sld [smem:$0x3FFE];
	[sflag:s23] =	ssyncadd.s32 $0xFFFFFFFF  }
0xa6: {  	s26 =	simm.s32 $execute0_lowered;
	[smem:$0x3FD2] =	sst s25  }
0xa7: {  	s6 =	sshll.u32 s26, $0x1;
	_ =	strace $0x80000046;
	[dreg:$0x1] =	wrdreg $0xFFFFFFFF  }
0xa8: {  	s28 =	simm.s32 $_size_execute0_lowered;
	s4 =	sadd.s32 s4, s6;
	[dreg:$0x0] =	wrdreg $0x0  }
0xa9: {  	s6 =	sshll.u32 s28, $0x1;
	[dreg:$0x2] =	wrdreg s4  }
0xaa: {  	[dreg:$0x3] =	wrdreg s6  }
0xab: {  	[dreg:$0x4] =	wrdreg $0xC0  }
0xac: {  	_ =	task [dreg:s8], $0x5FFFF  }
0xad: {  	[dreg:$0x1] =	wrdreg $0xFFFFFFFF  }
0xae: {  	[dreg:$0x0] =	wrdreg $0x60  }
0xaf: {  	[dreg:$0x2] =	wrdreg s24  }
0xb0: {  	[dreg:$0x3] =	wrdreg s2  }
0xb1: {  	[dreg:$0x4] =	wrdreg s18  }
0xb2: {  	[dreg:$0x5] =	wrdreg $0x9  }
0xb3: {  	_ =	task.clear_ibuf [dreg:s8], $0x6FFFF;
	_ =	strace $0x90000046  }
0xb4: {  	s29 =	simm.s32 $0x9;
	_ =	strace $0x80000048  }
0xb5: {  	_ =	swait.ge [sflag:s29], $0x1  }
0xb6: {  	[sflag:s29] =	ssyncadd.s32 $0xFFFFFFFF  }
0xb7: {  	_ =	strace $0x90000048  }
0xb8: {  	_ =	sfence  }
0xb9: {  	s30 =	sld [smem:$0x0];
	_ =	sdelay $0x2  }
0xba: {  	s31 =	sshll.u32 s1, $0xD;
	s1 =	sshrl.u32 s1, $0x2  }
0xbb: {  	s3 =	sand.u32 $0x4000, s31;
	s1 =	sadd.s32 s1, s30  }
0xbc: {  	s0 =	sor.u32 s3, s0;
	s1 =	sshll.u32 s1, $0x11  }
0xbd: {  	s0 =	sor.u32 s1, s0  }
0xbe: {  	s0 =	sadd.s32 $0x8F2B, s0  }
0xbf: {  	[sflag:s0] =	ssyncadd.remote.s32 $0x1  }
0xc0: {  	_ =	sfence.sel $0xFFFF  }
0xc1: {  	[dreg:$0x0] =	wrdreg $0xFFFFFFFF;
	(pc) =	sbr.abs _section_cstart, $3  }
0xc2: {  	[dreg:$0x1] =	wrdreg $0xFFFFFFFF  }
0xc3: {  	_ =	task.clear_ibuf [dreg:s8], $0x2FFFF;
	_ =	strace $0x9FFFFFFF  }
0xc4: {  	(tm) =	ssettm $0x7FFFFFFF  }
0xc5: {  	_ =	shalt  }
tec
execute0_lowered:
.L_overlay_start_1:
0x0: {  	(tag) =	ssettag $0x1  }
0x1: {  	s0 =	rddreg [dreg:$0x0]  }
0x2: {  	s1 =	rddreg [dreg:$0x1]  }
0x3: {  	s2 =	rddreg [dreg:$0x2]  }
0x4: {  	s4 =	simm.s32 $0x0;
	s3 =	srdreg.scid;
	s5 =	stileid.u32  }
0x5: {  	s12 =	simm.s32 $0x5;
	s13 =	simm.s32 $0x2000;
	s14 =	simm.s32 $0x40  }
0x6: {  	s21 =	simm.s32 $0x8000;
	s22 =	simm.s32 $0x2080;
	s23 =	simm.s32 $0x10000  }
0x7: {  	s28 =	simm.s32 $0x12000;
	s29 =	simm.s32 $0x1;
	s30 =	simm.s32 $0x14000  }
0x8: {  	s31 =	simm.s32 $0x2;
	s15 =	simm.s32 $0x4;
	s16 =	simm.s32 $0x0  }
0x9: {  	[smem:$0x7FF] =	sst s4;
	s3 =	sand.u32 $0x1, s3;
	s7 =	sadd.s32 $0x1200, s0  }
0xa: {  	s5 =	sshll.u32 s5, $0x8;
	s8 =	sadd.s32 $0x11200, s0;
	s6 =	sshll.u32 s3, $0x7  }
0xb: {  	_ =	strace $0x80000047;
	s3 =	ssub.s32 $0x2, s3;
	s5 =	sor.u32 s6, s5  }
0xc: {  	s6 =	sadd.s32 $0x21200, s0;
	s24 =	sshrl.u32 s3, $0x1;
	s9 =	sshll.u32 s5, $0x4  }
0xd: {  	s0 =	ssub.s32 s3, s24;
	s24 =	simm.s32 $0xC0;
	s3 =	simm.s32 $0x3  }
0xe: {  	s25 =	sadd.s32 s7, s9;
	s26 =	sor.u32 $0x400, s9;
	s9 =	sadd.s32 s8, s9  }
0xf: {  	s11 =	smax.u32 s0, $0x1;
	s0 =	simm.s32 $0x18000;
	[dreg:$0x4] =	wrdreg s25  }
0x10: {  	[dreg:$0x5] =	wrdreg s9;
	s7 =	sadd.s32 s7, s26;
	s10 =	sadd.s32 s8, s26  }
0x11: {  	s25 =	simm.s32 $0xA000;
	s26 =	simm.s32 $0x20C0;
	[dreg:$0x6] =	wrdreg s7  }
.LBB2_1:
0x12: {  	s7 =	rddreg [dreg:$0x4]  }
0x13: {  	[tilespmem:s4], [sflag:$0x5] =	stream.linear.gather [hbm4b:s7+s4], $0x2000, $0x38;
	[tilespmem:$0x1C000] =	vst v63  }
0x14: {  	_ =	swait.ge [sflag:s12], $0x2000  }
0x15: {  	[sflag:s12] =	ssyncset.done $0x0  }
0x16: {  	s8 =	rddreg [dreg:$0x5];
	[sflag:s12] =	ssyncadd.s32 $0xFFFFE000  }
0x17: {  	[tilespmem:s13], [sflag:$0x5] =	stream.linear.gather [hbm4b:s8+s4], $0x2000, $0x38;
	[tilespmem:$0x1C000] =	vst v63  }
0x18: {  	_ =	swait.ge [sflag:s12], $0x2000  }
0x19: {  	[sflag:s12] =	ssyncset.done $0x0  }
0x1a: {  	s9 =	simm.s32 $0x4000;
	[sflag:s12] =	ssyncadd.s32 $0xFFFFE000  }
0x1b: {  	[tilespmem:s9], [sflag:$0x1] =	stream.indirect.gather [hbm4b:s1+s14], $0x80, s4, s14, $0xb8;
	[tilespmem:$0x1C000] =	vst v63  }
0x1c: {  	s17 =	simm.s32 $0xC000  }
0x1d: {  	[tilespmem:s17], [sflag:$0x1] =	stream.indirect.gather [hbm4b:s6+s14], $0x80, s13, s14, $0xb8;
	[tilespmem:$0x1C000] =	vst v63  }
0x1e: {  	s18 =	simm.s32 $0x6000  }
0x1f: {  	[tilespmem:s18], [sflag:$0x1] =	stream.indirect.gather [hbm4b:s1+s14], $0x80, s14, s14, $0xb8;
	[tilespmem:$0x1C000] =	vst v63  }
0x20: {  	s19 =	simm.s32 $0x2040;
	s8 =	simm.s32 $0xE000  }
0x21: {  	[tilespmem:s8], [sflag:$0x1] =	stream.indirect.gather [hbm4b:s6+s14], $0x80, s19, s14, $0xb8;
	[tilespmem:$0x1C000] =	vst v63  }
0x22: {  	s20 =	simm.s32 $0x80  }
0x23: {  	[tilespmem:s21], [sflag:$0x2] =	stream.indirect.gather [hbm4b:s1+s14], $0x80, s20, s14, $0xb8;
	[tilespmem:$0x1C000] =	vst v63  }
0x24: {  	_ = 	snop  }
0x25: {  	[tilespmem:s23], [sflag:$0x2] =	stream.indirect.gather [hbm4b:s6+s14], $0x80, s22, s14, $0xb8;
	[tilespmem:$0x1C000] =	vst v63  }
0x26: {  	_ = 	snop  }
0x27: {  	[tilespmem:s25], [sflag:$0x2] =	stream.indirect.gather [hbm4b:s1+s14], $0x80, s24, s14, $0xb8;
	[tilespmem:$0x1C000] =	vst v63  }
0x28: {  	s7 =	simm.s32 $0x0  }
0x29: {  	[tilespmem:s28], [sflag:$0x2] =	stream.indirect.gather [hbm4b:s6+s14], $0x80, s26, s14, $0xb8;
	[tilespmem:$0x1C000] =	vst v63  }
.LBB2_2:
0x2a: {  	_ =	swait.ge [sflag:s29], $0x4000  }
0x2b: {  	[sflag:s29] =	ssyncset.done $0x0  }
0x2c: {  	[sflag:s29] =	ssyncadd.s32 $0xFFFFC000  }
0x2d: {  	_ =	swait.ge [sflag:s29], $0x4000  }
0x2e: {  	p1 =	seq.s32 s7, $0x0;
	[sflag:s29] =	ssyncset.done $0x0  }
0x2f: {  	s8 =	simm.s32 @!p1 $0x3;
	[sflag:s29] =	ssyncadd.s32 $0xFFFFC000  }
0x30: {  	_ =	swait.ge @!p1 [sflag:s8], $0x4000  }
0x31: {  	[sflag:s8] =	ssyncset.done @!p1 $0x0  }
0x32: {  	s17 =	simm.s32 $0x0;
	[sflag:s8] =	ssyncadd.s32 @!p1 $0xFFFFC000  }
0x33: {  	v0 =	vld [tilespmem:s17+$0x4070]  }
0x34: {  	v1 =	vld [tilespmem:s17+$0xC070]  }
0x35: {  	v2 =	vld [tilespmem:s17+$0x4000]  }
0x36: {  	v3 =	vld [tilespmem:s17+$0xC000]  }
0x37: {  	v4 =	vld [tilespmem:s17+$0x4010]  }
0x38: {  	v5 =	vld [tilespmem:s17+$0xC010]  }
0x39: {  	v6 =	vld [tilespmem:s17+$0x4020]  }
0x3a: {  	v7 =	vld [tilespmem:s17+$0x4030]  }
0x3b: {  	v0 =	vadd.f32 v1, v0;
	v1 =	vld [tilespmem:s17+$0xC020]  }
0x3c: {  	v8 =	vld [tilespmem:s17+$0xC030]  }
0x3d: {  	v9 =	vld [tilespmem:s17+$0xC040];
	v2 =	vadd.f32 v3, v2  }
0x3e: {  	[tilespmem:s17+$0x14070] =	vst v0;
	v0 =	vadd.f32 v5, v4;
	v5 =	vld [tilespmem:s17+$0x4040]  }
0x3f: {  	v3 =	vld [tilespmem:s17+$0xC050];
	[tilespmem:s17+$0x14000] =	vst v2  }
0x40: {  	v2 =	vld [tilespmem:s17+$0x4050];
	[tilespmem:s17+$0x14010] =	vst v0;
	v0 =	vadd.f32 v1, v6  }
0x41: {  	v4 =	vld [tilespmem:s17+$0xC060];
	v6 =	vadd.f32 v8, v7  }
0x42: {  	s8 =	simm.s32 $0x80;
	[tilespmem:s17+$0x14020] =	vst v0;
	v0 =	vld [tilespmem:s17+$0x4060]  }
0x43: {  	s18 =	sshll.u32 s7, $0x1;
	s19 =	simm.s32 $0x400;
	v5 =	vadd.f32 v9, v5;
	v1 =	vld [tilespmem:s8+$0x4070];
	[tilespmem:s17+$0x14030] =	vst v6  }
.LBB2_3:
0x44: {  	p0 =	sne.s32 s19, $0xFE00;
	v6 =	vld [tilespmem:s8+$0xC070]  }
0x45: {  	v7 =	vld [tilespmem:s8+$0x4000];
	[tilespmem:s17+$0x14040] =	vst v5;
	v2 =	vadd.f32 v3, v2  }
0x46: {  	v3 =	vld [tilespmem:s8+$0xC000]  }
0x47: {  	v5 =	vld [tilespmem:s8+$0x4010];
	[tilespmem:s17+$0x14050] =	vst v2;
	v0 =	vadd.f32 v4, v0  }
0x48: {  	v2 =	vld [tilespmem:s8+$0xC010]  }
0x49: {  	v4 =	vld [tilespmem:s8+$0x4020];
	v1 =	vadd.f32 v6, v1;
	[tilespmem:s17+$0x14060] =	vst v0;
	s17 =	smov.u32 s8  }
0x4a: {  	v0 =	vld [tilespmem:s17+$0xC020]  }
0x4b: {  	v3 =	vadd.f32 v3, v7;
	v6 =	vld [tilespmem:s17+$0x4030];
	[tilespmem:s17+$0x14070] =	vst v1  }
0x4c: {  	v1 =	vld [tilespmem:s17+$0xC030]  }
0x4d: {  	[tilespmem:s17+$0x14000] =	vst v3;
	v2 =	vadd.f32 v2, v5;
	v5 =	vld [tilespmem:s17+$0x4040]  }
0x4e: {  	v7 =	vld [tilespmem:s17+$0xC040]  }
.Ltmp0:
0x4f: {  	[tilespmem:s17+$0x14010] =	vst v2;
	v0 =	vadd.f32 v0, v4;
	v2 =	vld [tilespmem:s17+$0x4050];
	(pc) =	sbr.rel @p0 .LBB2_3-.Ltmp0, $4  }
0x50: {  	v3 =	vld [tilespmem:s17+$0xC050]  }
0x51: {  	[tilespmem:s17+$0x14020] =	vst v0;
	v6 =	vadd.f32 v1, v6;
	v0 =	vld [tilespmem:s17+$0x4060]  }
0x52: {  	s8 =	sshra.s32 s19, $0x2;
	v4 =	vld [tilespmem:s17+$0xC060]  }
0x53: {  	s19 =	sadd.s32 $0x200, s19;
	v1 =	vld [tilespmem:s8+$0x4070];
	[tilespmem:s17+$0x14030] =	vst v6;
	v5 =	vadd.f32 v7, v5  }
0x54: {  	v6 =	vld [tilespmem:s8+$0xC070]  }
0x55: {  	v7 =	vld [tilespmem:s8+$0x4000];
	[tilespmem:s17+$0x14040] =	vst v5;
	v2 =	vadd.f32 v3, v2  }
0x56: {  	v3 =	vld [tilespmem:s8+$0xC000]  }
0x57: {  	v5 =	vld [tilespmem:s8+$0x4010];
	[tilespmem:s17+$0x14050] =	vst v2;
	v0 =	vadd.f32 v4, v0  }
0x58: {  	v2 =	vld [tilespmem:s8+$0xC010]  }
0x59: {  	v4 =	vld [tilespmem:s8+$0x4020];
	[tilespmem:s17+$0x14060] =	vst v0  }
0x5a: {  	v0 =	vadd.f32 v6, v1;
	v1 =	vld [tilespmem:s8+$0xC020]  }
0x5b: {  	v6 =	vld [tilespmem:s8+$0x4030]  }
0x5c: {  	v3 =	vadd.f32 v3, v7;
	[tilespmem:s8+$0x14070] =	vst v0;
	v0 =	vld [tilespmem:s8+$0xC030]  }
0x5d: {  	v7 =	vld [tilespmem:s8+$0xC060]  }
0x5e: {  	[tilespmem:s8+$0x14000] =	vst v3;
	v2 =	vadd.f32 v2, v5;
	v3 =	vld [tilespmem:s8+$0x4040]  }
0x5f: {  	v5 =	vld [tilespmem:s8+$0xC040]  }
0x60: {  	[tilespmem:s8+$0x14010] =	vst v2;
	v1 =	vadd.f32 v1, v4;
	v2 =	vld [tilespmem:s8+$0x4050]  }
0x61: {  	v4 =	vld [tilespmem:s8+$0xC050]  }
0x62: {  	[tilespmem:s8+$0x14020] =	vst v1;
	v1 =	vld [tilespmem:s8+$0x4060];
	_ =	sdelay $0x1  }
0x63: {  	v0 =	vadd.f32 v0, v6  }
0x64: {  	v3 =	vadd.f32 v5, v3  }
0x65: {  	[tilespmem:s8+$0x14030] =	vst v0;
	v0 =	vadd.f32 v4, v2  }
0x66: {  	p0 =	seq.s32 s7, $0x1F;
	[tilespmem:s8+$0x14040] =	vst v3;
	v1 =	vadd.f32 v7, v1  }
0x67: {  	s17 =	sshll.u32 @!p0 s7, $0x8;
	[tilespmem:s8+$0x14050] =	vst v0  }
0x68: {  	s9 =	simm.s32 @!p0 $0x40;
	s19 =	simm.s32 @!p0 $0x4000;
	[tilespmem:s8+$0x14060] =	vst v1;
	s8 =	sadd.s32 @!p0 $0x100, s17  }
0x69: {  	[tilespmem:s19], [sflag:$0x1] =	stream.indirect.gather @!p0 [hbm4b:s1+s9], $0x80, s8, s9, $0xb8;
	[tilespmem:$0x1C000] =	vst v63  }
0x6a: {  	s8 =	sadd.s32 @!p0 $0x2100, s17;
	s19 =	simm.s32 @!p0 $0xC000  }
0x6b: {  	[tilespmem:s19], [sflag:$0x1] =	stream.indirect.gather @!p0 [hbm4b:s6+s9], $0x80, s8, s9, $0xb8;
	[tilespmem:$0x1C000] =	vst v63  }
0x6c: {  	s8 =	sadd.s32 @!p0 $0x140, s17;
	s19 =	simm.s32 @!p0 $0x6000  }
0x6d: {  	[tilespmem:s19], [sflag:$0x1] =	stream.indirect.gather @!p0 [hbm4b:s1+s9], $0x80, s8, s9, $0xb8;
	[tilespmem:$0x1C000] =	vst v63  }
0x6e: {  	s20 =	sadd.s32 s5, s18;
	s8 =	sadd.s32 @!p0 $0x2140, s17;
	s19 =	simm.s32 @!p0 $0xE000  }
0x6f: {  	[tilespmem:s19], [sflag:$0x1] =	stream.indirect.gather @!p0 [hbm4b:s6+s9], $0x80, s8, s9, $0xb8;
	[tilespmem:$0x1C000] =	vst v63  }
0x70: {  	s8 =	sshll.u32 s20, $0xB  }
0x71: {  	s8 =	sadd.s32 s2, s8  }
0x72: {  	[hbm4b:s8+s4] =	stream.linear.scatter [tilespmem:s30], [sflag:$0x3], $0x4000, $0x38;
	[tilespmem:$0x1C000] =	vst v63  }
0x73: {  	_ =	swait.ge [sflag:s31], $0x4000  }
0x74: {  	[sflag:s31] =	ssyncset.done $0x0  }
0x75: {  	[sflag:s31] =	ssyncadd.s32 $0xFFFFC000  }
0x76: {  	_ =	swait.ge [sflag:s31], $0x4000  }
0x77: {  	[sflag:s31] =	ssyncset.done $0x0  }
0x78: {  	s8 =	simm.s32 @!p1 $0x4;
	[sflag:s31] =	ssyncadd.s32 $0xFFFFC000  }
0x79: {  	_ =	swait.ge @!p1 [sflag:s8], $0x4000  }
0x7a: {  	[sflag:s8] =	ssyncset.done @!p1 $0x0  }
0x7b: {  	[sflag:s8] =	ssyncadd.s32 @!p1 $0xFFFFC000;
	s8 =	simm.s32 $0x0  }
0x7c: {  	v0 =	vld [tilespmem:s8+$0x8070]  }
0x7d: {  	v1 =	vld [tilespmem:s8+$0x10070]  }
0x7e: {  	v2 =	vld [tilespmem:s8+$0x8000]  }
0x7f: {  	v3 =	vld [tilespmem:s8+$0x10000]  }
0x80: {  	v4 =	vld [tilespmem:s8+$0x8010]  }
0x81: {  	v5 =	vld [tilespmem:s8+$0x10010]  }
0x82: {  	v6 =	vld [tilespmem:s8+$0x8020]  }
0x83: {  	v7 =	vld [tilespmem:s8+$0x8030]  }
0x84: {  	v0 =	vadd.f32 v1, v0;
	v1 =	vld [tilespmem:s8+$0x10020]  }
0x85: {  	v8 =	vld [tilespmem:s8+$0x10030]  }
0x86: {  	v9 =	vld [tilespmem:s8+$0x10040];
	v2 =	vadd.f32 v3, v2  }
0x87: {  	[tilespmem:s8+$0x18070] =	vst v0;
	v0 =	vadd.f32 v5, v4;
	v5 =	vld [tilespmem:s8+$0x8040]  }
0x88: {  	v3 =	vld [tilespmem:s8+$0x10050];
	[tilespmem:s8+$0x18000] =	vst v2  }
0x89: {  	v2 =	vld [tilespmem:s8+$0x8050];
	[tilespmem:s8+$0x18010] =	vst v0;
	v0 =	vadd.f32 v1, v6  }
0x8a: {  	v4 =	vld [tilespmem:s8+$0x10060];
	v6 =	vadd.f32 v8, v7  }
0x8b: {  	s19 =	simm.s32 $0x80;
	[tilespmem:s8+$0x18020] =	vst v0;
	v0 =	vld [tilespmem:s8+$0x8060]  }
0x8c: {  	s18 =	sor.u32 $0x1, s18;
	s9 =	simm.s32 $0x400;
	v5 =	vadd.f32 v9, v5;
	v1 =	vld [tilespmem:s19+$0x8070];
	[tilespmem:s8+$0x18030] =	vst v6  }
.LBB2_5:
0x8d: {  	p1 =	sne.s32 s9, $0xFE00;
	v6 =	vld [tilespmem:s19+$0x10070]  }
0x8e: {  	v7 =	vld [tilespmem:s19+$0x8000];
	[tilespmem:s8+$0x18040] =	vst v5;
	v2 =	vadd.f32 v3, v2  }
0x8f: {  	v3 =	vld [tilespmem:s19+$0x10000]  }
0x90: {  	v5 =	vld [tilespmem:s19+$0x8010];
	[tilespmem:s8+$0x18050] =	vst v2;
	v0 =	vadd.f32 v4, v0  }
0x91: {  	v2 =	vld [tilespmem:s19+$0x10010]  }
0x92: {  	v4 =	vld [tilespmem:s19+$0x8020];
	v1 =	vadd.f32 v6, v1;
	[tilespmem:s8+$0x18060] =	vst v0;
	s8 =	smov.u32 s19  }
0x93: {  	v0 =	vld [tilespmem:s8+$0x10020]  }
0x94: {  	v3 =	vadd.f32 v3, v7;
	v6 =	vld [tilespmem:s8+$0x8030];
	[tilespmem:s8+$0x18070] =	vst v1  }
0x95: {  	v1 =	vld [tilespmem:s8+$0x10030]  }
0x96: {  	[tilespmem:s8+$0x18000] =	vst v3;
	v2 =	vadd.f32 v2, v5;
	v5 =	vld [tilespmem:s8+$0x8040]  }
0x97: {  	v7 =	vld [tilespmem:s8+$0x10040]  }
.Ltmp1:
0x98: {  	[tilespmem:s8+$0x18010] =	vst v2;
	v0 =	vadd.f32 v0, v4;
	v2 =	vld [tilespmem:s8+$0x8050];
	(pc) =	sbr.rel @p1 .LBB2_5-.Ltmp1, $4  }
0x99: {  	v3 =	vld [tilespmem:s8+$0x10050]  }
0x9a: {  	[tilespmem:s8+$0x18020] =	vst v0;
	v6 =	vadd.f32 v1, v6;
	v0 =	vld [tilespmem:s8+$0x8060]  }
0x9b: {  	s19 =	sshra.s32 s9, $0x2;
	v4 =	vld [tilespmem:s8+$0x10060]  }
0x9c: {  	s9 =	sadd.s32 $0x200, s9;
	v1 =	vld [tilespmem:s19+$0x8070];
	[tilespmem:s8+$0x18030] =	vst v6;
	v5 =	vadd.f32 v7, v5  }
0x9d: {  	v6 =	vld [tilespmem:s19+$0x10070]  }
0x9e: {  	v7 =	vld [tilespmem:s19+$0x8000];
	[tilespmem:s8+$0x18040] =	vst v5;
	v2 =	vadd.f32 v3, v2  }
0x9f: {  	v51 =	vld [tilespmem:s19+$0x10000]  }
0xa0: {  	v5 =	vld [tilespmem:s19+$0x8010];
	[tilespmem:s8+$0x18050] =	vst v2;
	v0 =	vadd.f32 v4, v0  }
0xa1: {  	v2 =	vld [tilespmem:s19+$0x10010]  }
0xa2: {  	v52 =	vld [tilespmem:s19+$0x8020];
	[tilespmem:s8+$0x18060] =	vst v0  }
0xa3: {  	v54 =	vld [tilespmem:s19+$0x10020]  }
0xa4: {  	v55 =	vld [tilespmem:s19+$0x8030]  }
0xa5: {  	v56 =	vld [tilespmem:s19+$0x10030]  }
0xa6: {  	v57 =	vld [tilespmem:s19+$0x8040]  }
0xa7: {  	v58 =	vld [tilespmem:s19+$0x10040]  }
0xa8: {  	v59 =	vld [tilespmem:s19+$0x8050]  }
0xa9: {  	v53 =	vadd.f32 v6, v1;
	v60 =	vld [tilespmem:s19+$0x10050]  }
0xaa: {  	v61 =	vld [tilespmem:s19+$0x8060];
	v3 =	vadd.f32 v51, v7  }
0xab: {  	v62 =	vld [tilespmem:s19+$0x10060];
	[tilespmem:s19+$0x18070] =	vst v53;
	v2 =	vadd.f32 v2, v5  }
0xac: {  	[tilespmem:s19+$0x18000] =	vst v3;
	v1 =	vadd.f32 v54, v52  }
0xad: {  	[tilespmem:s19+$0x18010] =	vst v2;
	v0 =	vadd.f32 v56, v55  }
0xae: {  	v3 =	vadd.f32 v58, v57;
	[tilespmem:s19+$0x18020] =	vst v1  }
0xaf: {  	v63 =	vadd.f32 v60, v59;
	[tilespmem:s19+$0x18030] =	vst v0  }
0xb0: {  	[tilespmem:s19+$0x18040] =	vst v3;
	v1 =	vadd.f32 v62, v61  }
0xb1: {  	[tilespmem:s19+$0x18050] =	vst v63  }
0xb2: {  	s9 =	simm.s32 @!p0 $0x40;
	s8 =	sadd.s32 @!p0 $0x180, s17;
	[tilespmem:s19+$0x18060] =	vst v1;
	s19 =	simm.s32 @!p0 $0x8000  }
0xb3: {  	[tilespmem:s19], [sflag:$0x2] =	stream.indirect.gather @!p0 [hbm4b:s1+s9], $0x80, s8, s9, $0xb8;
	[tilespmem:$0x1C000] =	vst v63  }
0xb4: {  	s8 =	sadd.s32 @!p0 $0x2180, s17;
	s19 =	simm.s32 @!p0 $0x10000  }
0xb5: {  	[tilespmem:s19], [sflag:$0x2] =	stream.indirect.gather @!p0 [hbm4b:s6+s9], $0x80, s8, s9, $0xb8;
	[tilespmem:$0x1C000] =	vst v63  }
0xb6: {  	s8 =	sadd.s32 @!p0 $0x1C0, s17;
	s19 =	simm.s32 @!p0 $0xA000  }
0xb7: {  	[tilespmem:s19], [sflag:$0x2] =	stream.indirect.gather @!p0 [hbm4b:s1+s9], $0x80, s8, s9, $0xb8;
	[tilespmem:$0x1C000] =	vst v63  }
0xb8: {  	s7 =	sadd.s32 $0x1, s7;
	s8 =	sadd.s32 @!p0 $0x21C0, s17;
	s17 =	simm.s32 @!p0 $0x12000  }
0xb9: {  	[tilespmem:s17], [sflag:$0x2] =	stream.indirect.gather @!p0 [hbm4b:s6+s9], $0x80, s8, s9, $0xb8;
	[tilespmem:$0x1C000] =	vst v63  }
0xba: {  	p0 =	sne.s32 s7, $0x20  }
.Ltmp2:
0xbb: {  	_ = 	snop;
	(pc) =	sbr.rel @p0 .LBB2_2-.Ltmp2, $4  }
0xbc: {  	s20 =	sadd.s32 s5, s18  }
0xbd: {  	s8 =	sshll.u32 s20, $0xB  }
0xbe: {  	s8 =	sadd.s32 s2, s8  }
0xbf: {  	[hbm4b:s8+s4] =	stream.linear.scatter [tilespmem:s0], [sflag:$0x4], $0x4000, $0x38;
	[tilespmem:$0x1C000] =	vst v63  }
0xc0: {  	s7 =	simm.s32 $0x0;
	s8 =	rddreg [dreg:$0x6]  }
0xc1: {  	[tilespmem:s7], [sflag:$0x5] =	stream.linear.gather [hbm4b:s8+s7], $0x2000, $0x38;
	[tilespmem:$0x1C000] =	vst v63  }
0xc2: {  	_ =	swait.ge [sflag:s12], $0x2000  }
0xc3: {  	[sflag:s12] =	ssyncset.done $0x0  }
0xc4: {  	[sflag:s12] =	ssyncadd.s32 $0xFFFFE000  }
0xc5: {  	[tilespmem:s13], [sflag:$0x5] =	stream.linear.gather [hbm4b:s10+s7], $0x2000, $0x38;
	[tilespmem:$0x1C000] =	vst v63  }
0xc6: {  	_ =	swait.ge [sflag:s12], $0x2000  }
0xc7: {  	[sflag:s12] =	ssyncset.done $0x0  }
0xc8: {  	s9 =	simm.s32 $0x4000;
	[sflag:s12] =	ssyncadd.s32 $0xFFFFE000  }
0xc9: {  	[tilespmem:s9], [sflag:$0x1] =	stream.indirect.gather [hbm4b:s1+s14], $0x80, s7, s14, $0xb8;
	[tilespmem:$0x1C000] =	vst v63  }
0xca: {  	s17 =	simm.s32 $0xC000  }
0xcb: {  	[tilespmem:s17], [sflag:$0x1] =	stream.indirect.gather [hbm4b:s6+s14], $0x80, s13, s14, $0xb8;
	[tilespmem:$0x1C000] =	vst v63  }
0xcc: {  	s18 =	simm.s32 $0x6000  }
0xcd: {  	[tilespmem:s18], [sflag:$0x1] =	stream.indirect.gather [hbm4b:s1+s14], $0x80, s14, s14, $0xb8;
	[tilespmem:$0x1C000] =	vst v63  }
0xce: {  	s19 =	simm.s32 $0x2040;
	s9 =	simm.s32 $0xE000  }
0xcf: {  	[tilespmem:s9], [sflag:$0x1] =	stream.indirect.gather [hbm4b:s6+s14], $0x80, s19, s14, $0xb8;
	[tilespmem:$0x1C000] =	vst v63  }
0xd0: {  	s20 =	simm.s32 $0x80  }
0xd1: {  	[tilespmem:s21], [sflag:$0x2] =	stream.indirect.gather [hbm4b:s1+s14], $0x80, s20, s14, $0xb8;
	[tilespmem:$0x1C000] =	vst v63  }
0xd2: {  	_ = 	snop  }
0xd3: {  	[tilespmem:s23], [sflag:$0x2] =	stream.indirect.gather [hbm4b:s6+s14], $0x80, s22, s14, $0xb8;
	[tilespmem:$0x1C000] =	vst v63  }
0xd4: {  	_ = 	snop  }
0xd5: {  	[tilespmem:s25], [sflag:$0x2] =	stream.indirect.gather [hbm4b:s1+s14], $0x80, s24, s14, $0xb8;
	[tilespmem:$0x1C000] =	vst v63  }
0xd6: {  	_ = 	snop  }
0xd7: {  	[tilespmem:s28], [sflag:$0x2] =	stream.indirect.gather [hbm4b:s6+s14], $0x80, s26, s14, $0xb8;
	[tilespmem:$0x1C000] =	vst v63  }
.LBB2_8:
0xd8: {  	_ =	swait.ge [sflag:s29], $0x4000  }
0xd9: {  	[sflag:s29] =	ssyncset.done $0x0  }
0xda: {  	[sflag:s29] =	ssyncadd.s32 $0xFFFFC000  }
0xdb: {  	_ =	swait.ge [sflag:s29], $0x4000  }
0xdc: {  	[sflag:s29] =	ssyncset.done $0x0  }
0xdd: {  	[sflag:s29] =	ssyncadd.s32 $0xFFFFC000  }
0xde: {  	_ =	swait.ge [sflag:s3], $0x4000  }
0xdf: {  	[sflag:s3] =	ssyncset.done $0x0  }
0xe0: {  	s8 =	simm.s32 $0x0;
	[sflag:s3] =	ssyncadd.s32 $0xFFFFC000  }
0xe1: {  	v0 =	vld [tilespmem:s8+$0x4070]  }
0xe2: {  	v1 =	vld [tilespmem:s8+$0xC070]  }
0xe3: {  	v2 =	vld [tilespmem:s8+$0x4000]  }
0xe4: {  	v3 =	vld [tilespmem:s8+$0xC000]  }
0xe5: {  	v4 =	vld [tilespmem:s8+$0x4010]  }
0xe6: {  	v5 =	vld [tilespmem:s8+$0xC010]  }
0xe7: {  	v6 =	vld [tilespmem:s8+$0x4020]  }
0xe8: {  	v7 =	vld [tilespmem:s8+$0x4030]  }
0xe9: {  	v0 =	vadd.f32 v1, v0;
	v1 =	vld [tilespmem:s8+$0xC020]  }
0xea: {  	v8 =	vld [tilespmem:s8+$0xC030]  }
0xeb: {  	v9 =	vld [tilespmem:s8+$0xC040];
	v2 =	vadd.f32 v3, v2  }
0xec: {  	[tilespmem:s8+$0x14070] =	vst v0;
	v0 =	vadd.f32 v5, v4;
	v5 =	vld [tilespmem:s8+$0x4040]  }
0xed: {  	v3 =	vld [tilespmem:s8+$0xC050];
	[tilespmem:s8+$0x14000] =	vst v2  }
0xee: {  	v2 =	vld [tilespmem:s8+$0x4050];
	[tilespmem:s8+$0x14010] =	vst v0;
	v0 =	vadd.f32 v1, v6  }
0xef: {  	v4 =	vld [tilespmem:s8+$0xC060];
	v6 =	vadd.f32 v8, v7  }
0xf0: {  	s18 =	simm.s32 $0x80;
	[tilespmem:s8+$0x14020] =	vst v0;
	v0 =	vld [tilespmem:s8+$0x4060]  }
0xf1: {  	s9 =	simm.s32 $0x400;
	v5 =	vadd.f32 v9, v5;
	v1 =	vld [tilespmem:s18+$0x4070];
	[tilespmem:s8+$0x14030] =	vst v6  }
.LBB2_9:
0xf2: {  	p0 =	sne.s32 s9, $0xFE00;
	v6 =	vld [tilespmem:s18+$0xC070]  }
0xf3: {  	v7 =	vld [tilespmem:s18+$0x4000];
	[tilespmem:s8+$0x14040] =	vst v5;
	v2 =	vadd.f32 v3, v2  }
0xf4: {  	v3 =	vld [tilespmem:s18+$0xC000]  }
0xf5: {  	v5 =	vld [tilespmem:s18+$0x4010];
	[tilespmem:s8+$0x14050] =	vst v2;
	v0 =	vadd.f32 v4, v0  }
0xf6: {  	v2 =	vld [tilespmem:s18+$0xC010]  }
0xf7: {  	v4 =	vld [tilespmem:s18+$0x4020];
	v1 =	vadd.f32 v6, v1;
	[tilespmem:s8+$0x14060] =	vst v0;
	s8 =	smov.u32 s18  }
0xf8: {  	v0 =	vld [tilespmem:s8+$0xC020]  }
0xf9: {  	v3 =	vadd.f32 v3, v7;
	v6 =	vld [tilespmem:s8+$0x4030];
	[tilespmem:s8+$0x14070] =	vst v1  }
0xfa: {  	v1 =	vld [tilespmem:s8+$0xC030]  }
0xfb: {  	[tilespmem:s8+$0x14000] =	vst v3;
	v2 =	vadd.f32 v2, v5;
	v5 =	vld [tilespmem:s8+$0x4040]  }
0xfc: {  	v7 =	vld [tilespmem:s8+$0xC040]  }
.Ltmp3:
0xfd: {  	[tilespmem:s8+$0x14010] =	vst v2;
	v0 =	vadd.f32 v0, v4;
	v2 =	vld [tilespmem:s8+$0x4050];
	(pc) =	sbr.rel @p0 .LBB2_9-.Ltmp3, $4  }
0xfe: {  	v3 =	vld [tilespmem:s8+$0xC050]  }
0xff: {  	[tilespmem:s8+$0x14020] =	vst v0;
	v6 =	vadd.f32 v1, v6;
	v0 =	vld [tilespmem:s8+$0x4060]  }
0x100: {  	s18 =	sshra.s32 s9, $0x2;
	v4 =	vld [tilespmem:s8+$0xC060]  }
0x101: {  	s9 =	sadd.s32 $0x200, s9;
	v1 =	vld [tilespmem:s18+$0x4070];
	[tilespmem:s8+$0x14030] =	vst v6;
	v5 =	vadd.f32 v7, v5  }
0x102: {  	v6 =	vld [tilespmem:s18+$0xC070]  }
0x103: {  	v7 =	vld [tilespmem:s18+$0x4000];
	[tilespmem:s8+$0x14040] =	vst v5;
	v2 =	vadd.f32 v3, v2  }
0x104: {  	v3 =	vld [tilespmem:s18+$0xC000]  }
0x105: {  	v5 =	vld [tilespmem:s18+$0x4010];
	[tilespmem:s8+$0x14050] =	vst v2;
	v0 =	vadd.f32 v4, v0  }
0x106: {  	v2 =	vld [tilespmem:s18+$0xC010]  }
0x107: {  	v4 =	vld [tilespmem:s18+$0x4020];
	[tilespmem:s8+$0x14060] =	vst v0  }
0x108: {  	v0 =	vadd.f32 v6, v1;
	v1 =	vld [tilespmem:s18+$0xC020]  }
0x109: {  	v6 =	vld [tilespmem:s18+$0x4030]  }
0x10a: {  	v3 =	vadd.f32 v3, v7;
	[tilespmem:s18+$0x14070] =	vst v0;
	v0 =	vld [tilespmem:s18+$0xC030]  }
0x10b: {  	v7 =	vld [tilespmem:s18+$0xC060]  }
0x10c: {  	[tilespmem:s18+$0x14000] =	vst v3;
	v2 =	vadd.f32 v2, v5;
	v3 =	vld [tilespmem:s18+$0x4040]  }
0x10d: {  	v5 =	vld [tilespmem:s18+$0xC040]  }
0x10e: {  	[tilespmem:s18+$0x14010] =	vst v2;
	v1 =	vadd.f32 v1, v4;
	v2 =	vld [tilespmem:s18+$0x4050]  }
0x10f: {  	v4 =	vld [tilespmem:s18+$0xC050]  }
0x110: {  	[tilespmem:s18+$0x14020] =	vst v1;
	v1 =	vld [tilespmem:s18+$0x4060];
	_ =	sdelay $0x1  }
0x111: {  	v0 =	vadd.f32 v0, v6  }
0x112: {  	v3 =	vadd.f32 v5, v3  }
0x113: {  	[tilespmem:s18+$0x14030] =	vst v0;
	v0 =	vadd.f32 v4, v2  }
0x114: {  	p0 =	seq.s32 s7, $0x1F;
	[tilespmem:s18+$0x14040] =	vst v3;
	v1 =	vadd.f32 v7, v1  }
0x115: {  	s17 =	sshll.u32 @!p0 s7, $0x8;
	[tilespmem:s18+$0x14050] =	vst v0  }
0x116: {  	s9 =	simm.s32 @!p0 $0x40;
	s8 =	sadd.s32 @!p0 $0x100, s17;
	[tilespmem:s18+$0x14060] =	vst v1;
	s18 =	simm.s32 @!p0 $0x4000  }
0x117: {  	[tilespmem:s18], [sflag:$0x1] =	stream.indirect.gather @!p0 [hbm4b:s1+s9], $0x80, s8, s9, $0xb8;
	[tilespmem:$0x1C000] =	vst v63  }
0x118: {  	s8 =	sadd.s32 @!p0 $0x2100, s17;
	s18 =	simm.s32 @!p0 $0xC000  }
0x119: {  	[tilespmem:s18], [sflag:$0x1] =	stream.indirect.gather @!p0 [hbm4b:s6+s9], $0x80, s8, s9, $0xb8;
	[tilespmem:$0x1C000] =	vst v63  }
0x11a: {  	s19 =	simm.s32 @!p0 $0x6000;
	s18 =	sshll.u32 s7, $0x1;
	s8 =	sadd.s32 @!p0 $0x140, s17  }
0x11b: {  	[tilespmem:s19], [sflag:$0x1] =	stream.indirect.gather @!p0 [hbm4b:s1+s9], $0x80, s8, s9, $0xb8;
	[tilespmem:$0x1C000] =	vst v63  }
0x11c: {  	s8 =	sor.u32 $0x40, s18  }
0x11d: {  	s20 =	simm.s32 @!p0 $0xE000;
	s19 =	sadd.s32 @!p0 $0x2140, s17;
	s8 =	sadd.s32 s5, s8  }
0x11e: {  	[tilespmem:s20], [sflag:$0x1] =	stream.indirect.gather @!p0 [hbm4b:s6+s9], $0x80, s19, s9, $0xb8;
	[tilespmem:$0x1C000] =	vst v63  }
0x11f: {  	s8 =	sshll.u32 s8, $0xB  }
0x120: {  	s20 =	simm.s32 $0x0;
	s8 =	sadd.s32 s2, s8  }
0x121: {  	[hbm4b:s8+s20] =	stream.linear.scatter [tilespmem:s30], [sflag:$0x3], $0x4000, $0x38;
	[tilespmem:$0x1C000] =	vst v63  }
0x122: {  	_ =	swait.ge [sflag:s31], $0x4000  }
0x123: {  	[sflag:s31] =	ssyncset.done $0x0  }
0x124: {  	[sflag:s31] =	ssyncadd.s32 $0xFFFFC000  }
0x125: {  	_ =	swait.ge [sflag:s31], $0x4000  }
0x126: {  	[sflag:s31] =	ssyncset.done $0x0  }
0x127: {  	[sflag:s31] =	ssyncadd.s32 $0xFFFFC000  }
0x128: {  	_ =	swait.ge [sflag:s15], $0x4000  }
0x129: {  	[sflag:s15] =	ssyncset.done $0x0  }
0x12a: {  	s8 =	simm.s32 $0x0;
	[sflag:s15] =	ssyncadd.s32 $0xFFFFC000  }
0x12b: {  	v0 =	vld [tilespmem:s8+$0x8070]  }
0x12c: {  	v1 =	vld [tilespmem:s8+$0x10070]  }
0x12d: {  	v2 =	vld [tilespmem:s8+$0x8000]  }
0x12e: {  	v3 =	vld [tilespmem:s8+$0x10000]  }
0x12f: {  	v4 =	vld [tilespmem:s8+$0x8010]  }
0x130: {  	v5 =	vld [tilespmem:s8+$0x10010]  }
0x131: {  	v6 =	vld [tilespmem:s8+$0x8020]  }
0x132: {  	v7 =	vld [tilespmem:s8+$0x8030]  }
0x133: {  	v0 =	vadd.f32 v1, v0;
	v1 =	vld [tilespmem:s8+$0x10020]  }
0x134: {  	v8 =	vld [tilespmem:s8+$0x10030]  }
0x135: {  	v9 =	vld [tilespmem:s8+$0x10040];
	v2 =	vadd.f32 v3, v2  }
0x136: {  	[tilespmem:s8+$0x18070] =	vst v0;
	v0 =	vadd.f32 v5, v4;
	v5 =	vld [tilespmem:s8+$0x8040]  }
0x137: {  	v3 =	vld [tilespmem:s8+$0x10050];
	[tilespmem:s8+$0x18000] =	vst v2  }
0x138: {  	v2 =	vld [tilespmem:s8+$0x8050];
	[tilespmem:s8+$0x18010] =	vst v0;
	v0 =	vadd.f32 v1, v6  }
0x139: {  	v4 =	vld [tilespmem:s8+$0x10060];
	v6 =	vadd.f32 v8, v7  }
0x13a: {  	s19 =	simm.s32 $0x80;
	[tilespmem:s8+$0x18020] =	vst v0;
	v0 =	vld [tilespmem:s8+$0x8060]  }
0x13b: {  	s9 =	simm.s32 $0x400;
	v5 =	vadd.f32 v9, v5;
	v1 =	vld [tilespmem:s19+$0x8070];
	[tilespmem:s8+$0x18030] =	vst v6  }
.LBB2_11:
0x13c: {  	p1 =	sne.s32 s9, $0xFE00;
	v6 =	vld [tilespmem:s19+$0x10070]  }
0x13d: {  	v7 =	vld [tilespmem:s19+$0x8000];
	[tilespmem:s8+$0x18040] =	vst v5;
	v2 =	vadd.f32 v3, v2  }
0x13e: {  	v3 =	vld [tilespmem:s19+$0x10000]  }
0x13f: {  	v5 =	vld [tilespmem:s19+$0x8010];
	[tilespmem:s8+$0x18050] =	vst v2;
	v0 =	vadd.f32 v4, v0  }
0x140: {  	v2 =	vld [tilespmem:s19+$0x10010]  }
0x141: {  	v4 =	vld [tilespmem:s19+$0x8020];
	v1 =	vadd.f32 v6, v1;
	[tilespmem:s8+$0x18060] =	vst v0;
	s8 =	smov.u32 s19  }
0x142: {  	v0 =	vld [tilespmem:s8+$0x10020]  }
0x143: {  	v3 =	vadd.f32 v3, v7;
	v6 =	vld [tilespmem:s8+$0x8030];
	[tilespmem:s8+$0x18070] =	vst v1  }
0x144: {  	v1 =	vld [tilespmem:s8+$0x10030]  }
0x145: {  	[tilespmem:s8+$0x18000] =	vst v3;
	v2 =	vadd.f32 v2, v5;
	v5 =	vld [tilespmem:s8+$0x8040]  }
0x146: {  	v7 =	vld [tilespmem:s8+$0x10040]  }
.Ltmp4:
0x147: {  	[tilespmem:s8+$0x18010] =	vst v2;
	v0 =	vadd.f32 v0, v4;
	v2 =	vld [tilespmem:s8+$0x8050];
	(pc) =	sbr.rel @p1 .LBB2_11-.Ltmp4, $4  }
0x148: {  	v3 =	vld [tilespmem:s8+$0x10050]  }
0x149: {  	[tilespmem:s8+$0x18020] =	vst v0;
	v6 =	vadd.f32 v1, v6;
	v0 =	vld [tilespmem:s8+$0x8060]  }
0x14a: {  	s19 =	sshra.s32 s9, $0x2;
	v4 =	vld [tilespmem:s8+$0x10060]  }
0x14b: {  	s9 =	sadd.s32 $0x200, s9;
	v1 =	vld [tilespmem:s19+$0x8070];
	[tilespmem:s8+$0x18030] =	vst v6;
	v5 =	vadd.f32 v7, v5  }
0x14c: {  	v6 =	vld [tilespmem:s19+$0x10070]  }
0x14d: {  	v7 =	vld [tilespmem:s19+$0x8000];
	[tilespmem:s8+$0x18040] =	vst v5;
	v2 =	vadd.f32 v3, v2  }
0x14e: {  	v51 =	vld [tilespmem:s19+$0x10000]  }
0x14f: {  	v5 =	vld [tilespmem:s19+$0x8010];
	[tilespmem:s8+$0x18050] =	vst v2;
	v0 =	vadd.f32 v4, v0  }
0x150: {  	v2 =	vld [tilespmem:s19+$0x10010]  }
0x151: {  	v52 =	vld [tilespmem:s19+$0x8020];
	[tilespmem:s8+$0x18060] =	vst v0  }
0x152: {  	v54 =	vld [tilespmem:s19+$0x10020]  }
0x153: {  	v55 =	vld [tilespmem:s19+$0x8030]  }
0x154: {  	v56 =	vld [tilespmem:s19+$0x10030]  }
0x155: {  	v57 =	vld [tilespmem:s19+$0x8040]  }
0x156: {  	v58 =	vld [tilespmem:s19+$0x10040]  }
0x157: {  	v59 =	vld [tilespmem:s19+$0x8050]  }
0x158: {  	v53 =	vadd.f32 v6, v1;
	v60 =	vld [tilespmem:s19+$0x10050]  }
0x159: {  	v61 =	vld [tilespmem:s19+$0x8060];
	v3 =	vadd.f32 v51, v7  }
0x15a: {  	v62 =	vld [tilespmem:s19+$0x10060];
	[tilespmem:s19+$0x18070] =	vst v53;
	v2 =	vadd.f32 v2, v5  }
0x15b: {  	[tilespmem:s19+$0x18000] =	vst v3;
	v1 =	vadd.f32 v54, v52  }
0x15c: {  	[tilespmem:s19+$0x18010] =	vst v2;
	v0 =	vadd.f32 v56, v55  }
0x15d: {  	v3 =	vadd.f32 v58, v57;
	[tilespmem:s19+$0x18020] =	vst v1  }
0x15e: {  	v63 =	vadd.f32 v60, v59;
	[tilespmem:s19+$0x18030] =	vst v0  }
0x15f: {  	[tilespmem:s19+$0x18040] =	vst v3;
	v1 =	vadd.f32 v62, v61  }
0x160: {  	[tilespmem:s19+$0x18050] =	vst v63  }
0x161: {  	s9 =	simm.s32 @!p0 $0x40;
	s8 =	sadd.s32 @!p0 $0x180, s17;
	[tilespmem:s19+$0x18060] =	vst v1;
	s19 =	simm.s32 @!p0 $0x8000  }
0x162: {  	[tilespmem:s19], [sflag:$0x2] =	stream.indirect.gather @!p0 [hbm4b:s1+s9], $0x80, s8, s9, $0xb8;
	[tilespmem:$0x1C000] =	vst v63  }
0x163: {  	s8 =	sadd.s32 @!p0 $0x2180, s17;
	s19 =	simm.s32 @!p0 $0x10000  }
0x164: {  	[tilespmem:s19], [sflag:$0x2] =	stream.indirect.gather @!p0 [hbm4b:s6+s9], $0x80, s8, s9, $0xb8;
	[tilespmem:$0x1C000] =	vst v63  }
0x165: {  	s20 =	sor.u32 $0x41, s18;
	s8 =	sadd.s32 @!p0 $0x1C0, s17;
	s19 =	simm.s32 @!p0 $0xA000  }
0x166: {  	[tilespmem:s19], [sflag:$0x2] =	stream.indirect.gather @!p0 [hbm4b:s1+s9], $0x80, s8, s9, $0xb8;
	[tilespmem:$0x1C000] =	vst v63  }
0x167: {  	s18 =	simm.s32 @!p0 $0x12000;
	s7 =	sadd.s32 $0x1, s7;
	s17 =	sadd.s32 @!p0 $0x21C0, s17  }
0x168: {  	[tilespmem:s18], [sflag:$0x2] =	stream.indirect.gather @!p0 [hbm4b:s6+s9], $0x80, s17, s9, $0xb8;
	[tilespmem:$0x1C000] =	vst v63  }
0x169: {  	p0 =	sne.s32 s7, $0x20  }
.Ltmp5:
0x16a: {  	_ = 	snop;
	(pc) =	sbr.rel @p0 .LBB2_8-.Ltmp5, $4  }
0x16b: {  	s8 =	sadd.s32 s5, s20  }
0x16c: {  	s8 =	sshll.u32 s8, $0xB  }
0x16d: {  	s8 =	sadd.s32 s2, s8  }
0x16e: {  	[hbm4b:s8+s4] =	stream.linear.scatter [tilespmem:s0], [sflag:$0x4], $0x4000, $0x38;
	[tilespmem:$0x1C000] =	vst v63  }
0x16f: {  	s16 =	sadd.s32 $0x1, s16  }
0x170: {  	_ =	swait.ge [sflag:s3], $0x4000;
	p0 =	sne.s32 s16, s11  }
.Ltmp6:
0x171: {  	[sflag:s3] =	ssyncset.done $0x0;
	(pc) =	sbr.rel @p0 .LBB2_1-.Ltmp6, $4  }
0x172: {  	[sflag:s3] =	ssyncadd.s32 $0xFFFFC000  }
0x173: {  	_ =	swait.ge [sflag:s15], $0x4000  }
0x174: {  	[sflag:s15] =	ssyncset.done $0x0  }
0x175: {  	[sflag:s15] =	ssyncadd.s32 $0xFFFFC000  }
0x176: {  	_ =	sfence.sel $0x180000  }
0x177: {  	[bflag:$0x0] =	sbarrier.arrive $0xFFFF  }
0x178: {  	_ =	strace $0x90000047  }
0x179: {  	s0 =	stileid.u32;
	[bflag:$0x2] =	sbarrier.arrive $0xFFFF  }
0x17a: {  	p0 =	sne.s32 s0, $0x0;
	s0 =	rddreg [dreg:$0x3]  }
0x17b: {  	s0 =	sadd.s32 @!p0 $0x100000, s0  }
0x17c: {  	[sflag:s0] =	ssyncadd.tile.s32 @!p0 $0x1;
	_ =	shalt  }
.Lfunc_end2:
_tile_overlayer_lowered:
.L_overlay_start_2:
0x17d: {  	(tag) =	ssettag $0x2  }
0x17e: {  	s0 =	rddreg [dreg:$0x0];
	s2 =	stileid.u32  }
0x17f: {  	s1 =	rddreg [dreg:$0x1];
	p0 =	sne.s32 s2, $0x0  }
0x180: {  	s3 =	rddreg [dreg:$0x2];
	[bflag:$0x3] =	sbarrier.arrive $0xFFFF;
	s2 =	simm.s32 @!p0 $0x1C05  }
0x181: {  	[timem:s3], [sflag:s2] =	dma.local @!p0 [hbm:s0], s1  }
0x182: {  	s0 =	simm.s32 @!p0 $0x5  }
0x183: {  	_ =	swait.ge @!p0 [sflag:s0], s1  }
0x184: {  	s1 =	ssub.s32 @!p0 $0x0, s1;
	[sflag:s0] =	ssyncset.done @!p0 $0x0  }
0x185: {  	[sflag:s0] =	ssyncadd.s32 @!p0 s1  }
0x186: {  	[bflag:$0x3] =	sbarrier.arrive $0xFFFF  }
0x187: {  	_ =	shalt  }

</sc_bundles>
